<compile_context>
chip_gen: v7x
topology: tpu7x:2x2x1
jax: 0.10.2.dev20260603
libtpu: 0.0.44.dev20260713+nightly
codegen_flags: <defaults>
</compile_context>

<pallas_src>
import jax
import jax.numpy as jnp
from jax import lax
from jax.experimental import pallas as pl
from jax.experimental.pallas import tpu as pltpu
from jax.experimental.pallas import tpu_sc as plsc

N = 10000
E = 320000
D = 128
NUM_LAB = 11
NC = 2
NS = 16
NW = NC * NS
CHUNK = 50
EPW = E // NW
NCH = EPW // CHUNK
BT = 5000


def _sc_mesh():
    return plsc.VectorSubcoreMesh(core_axis_name="c", subcore_axis_name="s")


DCH = 125
NDCH = EPW // DCH


def _deg_body(dst_hbm, zeros_hbm, out_hbm, dst_v, ones_v, deg_sh, dsem):
    c = lax.axis_index("c")
    s = lax.axis_index("s")
    w = c * NS + s
    for i in range(8):
        ones_v[pl.ds(i * 16, 16)] = jnp.ones((16,), jnp.float32)
    z0 = s * 624
    pltpu.sync_copy(zeros_hbm.at[pl.ds(z0, 640)], deg_sh.at[pl.ds(z0, 640)])
    pltpu.sync_copy(dst_hbm.at[w], dst_v)
    plsc.subcore_barrier()

    def fire(j, carry):
        pltpu.async_copy(ones_v.at[pl.ds(0, DCH)], deg_sh.at[dst_v.at[j]],
                         dsem, add=True)
        return carry

    lax.fori_loop(0, NDCH, fire, 0)

    def drain(j, carry):
        pltpu.make_async_copy(ones_v.at[pl.ds(0, DCH)],
                              deg_sh.at[pl.ds(0, DCH)], dsem).wait()
        return carry

    lax.fori_loop(0, NDCH, drain, 0)
    plsc.subcore_barrier()
    pltpu.sync_copy(deg_sh.at[pl.ds(z0, 640)], out_hbm.at[c, pl.ds(z0, 640)])


def _deg_call(dstd, zeros1):
    return pl.kernel(
        _deg_body,
        out_type=jax.ShapeDtypeStruct((NC, N), jnp.float32),
        mesh=_sc_mesh(),
        compiler_params=pltpu.CompilerParams(use_tc_tiling_on_sc=False),
        scratch_types=[
            pltpu.VMEM((NDCH, DCH), jnp.int32),
            pltpu.VMEM((128,), jnp.float32),
            pltpu.VMEM_SHARED((N,), jnp.float32),
            pltpu.SemaphoreType.DMA,
        ],
    )(dstd, zeros1)


NB = 4


def _seg_body(h_hbm, src_hbm, dst_hbm, zeros_hbm, out_hbm,
              src_v, dst_v, acc_sh, *bufs):
    rows = list(bufs[:NB])
    gsem = list(bufs[NB:2 * NB])
    ssem = list(bufs[2 * NB:])
    c = lax.axis_index("c")
    s = lax.axis_index("s")
    w = c * NS + s
    z0 = s * 625

    def zero_piece(k, carry):
        pltpu.async_copy(zeros_hbm.at[pl.ds(z0 + k * 125, 125)],
                         acc_sh.at[pl.ds(z0 + k * 125, 125)], gsem[0])
        return carry

    lax.fori_loop(0, 5, zero_piece, 0)

    def zero_drain(k, carry):
        pltpu.make_async_copy(zeros_hbm.at[pl.ds(0, 125)],
                              acc_sh.at[pl.ds(0, 125)], gsem[0]).wait()
        return carry

    lax.fori_loop(0, 5, zero_drain, 0)
    pltpu.sync_copy(src_hbm.at[w], src_v)
    pltpu.sync_copy(dst_hbm.at[w], dst_v)
    plsc.subcore_barrier()

    for b in range(NB):
        pltpu.async_copy(h_hbm.at[src_v.at[b]], rows[b], gsem[b])

    def group(g, carry):
        for b in range(NB):
            j = g * NB + b
            pltpu.make_async_copy(
                h_hbm.at[pl.ds(0, CHUNK)], rows[b], gsem[b]).wait()
            pltpu.async_copy(rows[b], acc_sh.at[dst_v.at[j]], ssem[b],
                             add=True)
            pltpu.make_async_copy(
                rows[b], acc_sh.at[pl.ds(0, CHUNK)], ssem[b]).wait()

            @pl.when(j + NB < NCH)
            def _():
                pltpu.async_copy(h_hbm.at[src_v.at[j + NB]], rows[b],
                                 gsem[b])
        return carry

    lax.fori_loop(0, NCH // NB, group, 0)
    plsc.subcore_barrier()

    def out_piece(k, carry):
        pltpu.async_copy(acc_sh.at[pl.ds(z0 + k * 125, 125)],
                         out_hbm.at[c, pl.ds(z0 + k * 125, 125)], gsem[0])
        return carry

    lax.fori_loop(0, 5, out_piece, 0)

    def out_drain(k, carry):
        pltpu.make_async_copy(acc_sh.at[pl.ds(0, 125)],
                              out_hbm.at[c, pl.ds(0, 125)], gsem[0]).wait()
        return carry

    lax.fori_loop(0, 5, out_drain, 0)


def _seg_call(h, src2d, dst2d, zeros2):
    return pl.kernel(
        _seg_body,
        out_type=jax.ShapeDtypeStruct((NC, N, D), jnp.float32),
        mesh=_sc_mesh(),
        compiler_params=pltpu.CompilerParams(use_tc_tiling_on_sc=False),
        scratch_types=[
            pltpu.VMEM((NCH, CHUNK), jnp.int32),
            pltpu.VMEM((NCH, CHUNK), jnp.int32),
            pltpu.VMEM_SHARED((N, D), jnp.float32),
        ] + [pltpu.VMEM((CHUNK, D), jnp.float32)] * NB
          + [pltpu.SemaphoreType.DMA] * (2 * NB),
    )(h, src2d, dst2d, zeros2)


def _in_body(deg_ref, x_ref, w_ref, o_ref, dinv_ref):
    degv = deg_ref[...]
    dinv = lax.rsqrt(jnp.maximum(jnp.sum(degv, axis=1, keepdims=True), 1.0))
    dinv_ref[...] = dinv
    h = jnp.dot(x_ref[...], w_ref[...], preferred_element_type=jnp.float32)
    o_ref[...] = h * dinv


def _mid_body(dinv_ref, sp_ref, w_ref, o_ref):
    dinv = dinv_ref[...]
    sp = sp_ref[...]
    z = jax.nn.relu((sp[0] + sp[1]) * dinv)
    o_ref[...] = jnp.dot(z, w_ref[...],
                         preferred_element_type=jnp.float32) * dinv


def _fin_body(uv_ref, dinv_ref, sp_ref, xlp_ref, wfp_ref, w5c_ref, w1dp_ref,
              w2d_ref, w4r_ref, o_ref, acc, xlu):
    i = pl.program_id(0)

    @pl.when(i == 0)
    def _():
        acc[0] = 0.0
        acc[1] = 0.0
        acc[2] = 0.0
        xlu[...] = jnp.zeros((1, D), jnp.float32)

    u = uv_ref[0]
    v = uv_ref[1]
    dinv = dinv_ref[...]
    sp = sp_ref[...]
    z = jax.nn.relu((sp[0] + sp[1]) * dinv)
    logits = jnp.dot(z, wfp_ref[...], preferred_element_type=jnp.float32)
    xlp = xlp_ref[...]
    col = lax.broadcasted_iota(jnp.int32, (BT, D), 1)
    lm = jnp.where(col < NUM_LAB - 1, logits, -1e30)
    m = jnp.max(lm, axis=1, keepdims=True)
    e = jnp.where(col < NUM_LAB - 1, jnp.exp(logits - m), 0.0)
    den = jnp.sum(e, axis=1, keepdims=True)
    num = jnp.sum(e * xlp, axis=1, keepdims=True)
    acc[0] += jnp.sum(jnp.log(num / den + 1e-12))

    t = jnp.dot(xlp, w5c_ref[...], preferred_element_type=jnp.float32)
    acc[1] += jnp.sum(jnp.exp(t))
    rowid = lax.broadcasted_iota(jnp.int32, (BT, 1), 0) + i * BT
    acc[2] += jnp.sum(jnp.where(rowid == v, t, 0.0))
    xlu[...] += jnp.sum(jnp.where(rowid == u, xlp, 0.0), axis=0,
                        keepdims=True)

    @pl.when(i == pl.num_programs(0) - 1)
    def _():
        q = jax.nn.relu(jnp.dot(xlu[...], w1dp_ref[...],
                                preferred_element_type=jnp.float32))
        r = jax.nn.relu(jnp.dot(q, w2d_ref[...],
                                preferred_element_type=jnp.float32))
        delta = jnp.sum(r * w4r_ref[...])
        tv = acc[2]
        tvd = tv + jnp.where(u == v, delta, 0.0)
        t_stop = w5c_ref[NUM_LAB - 1, 0]
        denom = acc[1] - jnp.exp(tv) + jnp.exp(tvd) + jnp.exp(t_stop)
        res = acc[0] + jnp.log(jnp.exp(tvd) / denom + 1e-12)
        o_ref[...] = jnp.reshape(res, (1, 1))


def _in_call(degp, x, w1):
    return pl.pallas_call(
        _in_body,
        grid=(N // BT,),
        in_specs=[
            pl.BlockSpec((BT, NC), lambda i: (i, 0)),
            pl.BlockSpec((BT, D), lambda i: (i, 0)),
            pl.BlockSpec((D, D), lambda i: (0, 0)),
        ],
        out_specs=[
            pl.BlockSpec((BT, D), lambda i: (i, 0)),
            pl.BlockSpec((BT, 1), lambda i: (i, 0)),
        ],
        out_shape=[
            jax.ShapeDtypeStruct((N, D), jnp.float32),
            jax.ShapeDtypeStruct((N, 1), jnp.float32),
        ],
    )(degp, x, w1)


def _mid_call(dinv, sp, w2):
    return pl.pallas_call(
        _mid_body,
        grid=(N // BT,),
        in_specs=[
            pl.BlockSpec((BT, 1), lambda i: (i, 0)),
            pl.BlockSpec((NC, BT, D), lambda i: (0, i, 0)),
            pl.BlockSpec((D, D), lambda i: (0, 0)),
        ],
        out_specs=pl.BlockSpec((BT, D), lambda i: (i, 0)),
        out_shape=jax.ShapeDtypeStruct((N, D), jnp.float32),
    )(dinv, sp, w2)


def _fin_call(uv, dinv, sp, xlp, wfp, w5c, w1dp, w2d, w4r):
    return pl.pallas_call(
        _fin_body,
        grid=(N // BT,),
        in_specs=[
            pl.BlockSpec(memory_space=pltpu.SMEM),
            pl.BlockSpec((BT, 1), lambda i: (i, 0)),
            pl.BlockSpec((NC, BT, D), lambda i: (0, i, 0)),
            pl.BlockSpec((BT, D), lambda i: (i, 0)),
            pl.BlockSpec((D, D), lambda i: (0, 0)),
            pl.BlockSpec((D, 1), lambda i: (0, 0)),
            pl.BlockSpec((D, D), lambda i: (0, 0)),
            pl.BlockSpec((D, D), lambda i: (0, 0)),
            pl.BlockSpec((1, D), lambda i: (0, 0)),
        ],
        out_specs=pl.BlockSpec((1, 1), lambda i: (0, 0)),
        out_shape=jax.ShapeDtypeStruct((1, 1), jnp.float32),
        scratch_shapes=[
            pltpu.SMEM((4,), jnp.float32),
            pltpu.VMEM((1, D), jnp.float32),
        ],
    )(uv, dinv, sp, xlp, wfp, w5c, w1dp, w2d, w4r)


def kernel(x_p, edge_index_p, x_l, edge_index_l, bfs_index,
           W1_p, W2_p, W1_l, W2_l, W1_d, W2_d, Wf, Wg):
    src2d = edge_index_l[0].reshape(NW, NCH, CHUNK)
    dst2d = edge_index_l[1].reshape(NW, NCH, CHUNK)
    dstd = edge_index_l[1].reshape(NW, NDCH, DCH)
    zeros1 = jnp.zeros((N,), jnp.float32)
    zeros2 = jnp.zeros((N, D), jnp.float32)

    degp = _deg_call(dstd, zeros1)
    h2, dinv = _in_call(degp.T, x_l, W1_l)
    s1 = _seg_call(h2, src2d, dst2d, zeros2)
    h2b = _mid_call(dinv, s1, W2_l)
    s2 = _seg_call(h2b, src2d, dst2d, zeros2)

    xlp = jnp.pad(x_l[:, 4:4 + NUM_LAB], ((0, 0), (0, D - NUM_LAB)))
    wfp = jnp.pad(Wf, ((0, 0), (0, D - NUM_LAB)))
    off = 1 + D + D + NUM_LAB
    w4r = Wg[off:off + D, 0].reshape(1, D)
    w5c = jnp.pad(Wg[off + D:off + D + NUM_LAB, 0],
                  (0, D - NUM_LAB)).reshape(D, 1)
    w1dp = jnp.pad(W1_d, ((0, D - NUM_LAB), (0, 0)))
    uv = bfs_index[0]

    res = _fin_call(uv, dinv, s2, xlp, wfp, w5c, w1dp, W2_d, w4r)
    return res[0, 0]

# --- scband reference (transcript-rebuilt; emitter-appended) ---
"""Pipeline reference for scband-teacher-forcer-4621384810499 (READ-ONLY COPY).

The authoritative reference and input builder live on the scoring server;
editing this copy changes nothing except your own understanding.
"""

import jax, jax.numpy as jnp
import numpy as np

N_P = 10000
E_P = 320000
N_L = 10000
E_L = 320000
D = 128
NUM_LAB = 11
PHI_DIM = 1 + D + D + NUM_LAB + D + NUM_LAB + 2 * (D + NUM_LAB)


def gcn2(x, edge_index, W1, W2):
    N = x.shape[0]
    src = edge_index[0]
    dst = edge_index[1]
    deg = jnp.maximum(jnp.zeros((N,), jnp.float32).at[dst].add(1.0), 1.0)
    norm = (deg[src] * deg[dst]) ** -0.5
    h = x @ W1
    agg = jnp.zeros((N, W1.shape[1]), jnp.float32).at[dst].add(h[src] * norm[:, None])
    h = jax.nn.relu(agg)
    h = h @ W2
    agg = jnp.zeros((N, W2.shape[1]), jnp.float32).at[dst].add(h[src] * norm[:, None])
    return jax.nn.relu(agg)


def setup_inputs(seed: int = 0) -> dict:
    key = jax.random.key(seed)
    ks = jax.random.split(key, 14)
    s = 1.0 / np.sqrt(D)
    sl = 1.0 / np.sqrt(NUM_LAB)
    sp = 1.0 / np.sqrt(PHI_DIM)
    return {
        'x_p': jax.random.normal(ks[0], (N_P, D), jnp.float32),
        'edge_index_p': jax.random.randint(ks[1], (2, E_P), 0, N_P),
        'x_l': jax.random.uniform(ks[2], (N_L, D), jnp.float32),
        'edge_index_l': jax.random.randint(ks[3], (2, E_L), 0, N_L),
        'bfs_index': jax.random.randint(ks[4], (512, 2), 0, N_L),
        'W1_p': jax.random.normal(ks[5], (D, D), jnp.float32) * s,
        'W2_p': jax.random.normal(ks[6], (D, D), jnp.float32) * s,
        'W1_l': jax.random.normal(ks[7], (D, D), jnp.float32) * s,
        'W2_l': jax.random.normal(ks[8], (D, D), jnp.float32) * s,
        'W1_d': jax.random.normal(ks[9], (NUM_LAB, D), jnp.float32) * sl,
        'W2_d': jax.random.normal(ks[10], (D, D), jnp.float32) * s,
        'Wf': jax.random.normal(ks[11], (D, NUM_LAB), jnp.float32) * s,
        'Wg': jax.random.normal(ks[12], (PHI_DIM, 1), jnp.float32) * sp,
    }


def reference(x_p, edge_index_p, x_l, edge_index_l, bfs_index, W1_p, W2_p, W1_l, W2_l, W1_d, W2_d, Wf, Wg):
    # pocket / ligand GCN encoders
    z_pocket_atoms = gcn2(x_p, edge_index_p, W1_p, W2_p)
    z_pocket = jnp.mean(z_pocket_atoms, axis=0)
    z_lig = gcn2(x_l, edge_index_l, W1_l, W2_l)
    z_v = z_lig
    # atom classifier f with label mask (last label 'Stop' masked)
    label_mask = jnp.zeros((NUM_LAB,), jnp.float32).at[-1].set(-jnp.inf)
    lab_pred = jax.nn.softmax(z_v @ Wf + label_mask[None, :], axis=1)
    x_labels = x_l[:, 4:4 + NUM_LAB]
    log_prob = jnp.sum(jnp.log(jnp.sum(lab_pred * x_labels, axis=1) + 1e-12))
    lab_v0 = x_labels
    H_init = jnp.mean(jnp.concatenate([z_v, lab_v0], axis=1), axis=0)
    # append Stop node label
    l_stop = jnp.zeros((NUM_LAB,), jnp.float32).at[-1].set(1.0)
    lab_v = jnp.concatenate([lab_v0, l_stop[None, :]], axis=0)
    # decoder GCN on label graph with initial bfs edge
    edge_index_init = jnp.stack([bfs_index[0, 0:1], bfs_index[0, 1:2]], axis=0)
    z_dec = gcn2(lab_v, edge_index_init, W1_d, W2_d)
    H_t = jnp.mean(jnp.concatenate([z_dec, lab_v], axis=1), axis=0)
    # one teacher-forced edge-selection step
    u = bfs_index[0, 0]
    v = bfs_index[0, 1]
    num_nodes = z_dec.shape[0]
    time_col = jnp.zeros((num_nodes, 1), jnp.float32)
    phi = jnp.concatenate([
        time_col,
        jnp.tile(z_pocket[None, :], (num_nodes, 1)),
        jnp.tile(z_dec[u][None, :], (num_nodes, 1)),
        jnp.tile(lab_v[u][None, :], (num_nodes, 1)),
        z_dec,
        lab_v,
        jnp.tile(H_t[None, :], (num_nodes, 1)),
        jnp.tile(H_init[None, :], (num_nodes, 1)),
    ], axis=1)
    scores = (phi @ Wg)[:, 0]
    p_uv = jax.nn.softmax(scores, axis=0)
    log_prob = log_prob + jnp.log(p_uv[v] + 1e-12)
    return log_prob

if __name__ == "__main__":
    import jax
    _d = setup_inputs()
    print(jax.jit(kernel)(*tuple(_d.values())))

</pallas_src>

<mosaic_0001>
#map = affine_map<(d0, d1) -> (0, 0)>
#map1 = affine_map<(d0, d1) -> (0, 0, 0)>
module attributes {stable_mosaic.version = 14 : i64} {
  func.func @_seg_body(%arg0: i32, %arg1: i32, %arg2: memref<10000x128xf32, #tpu.memory_space<hbm>>, %arg3: memref<32x200x50xi32, #tpu.memory_space<hbm>>, %arg4: memref<32x200x50xi32, #tpu.memory_space<hbm>>, %arg5: memref<10000x128xf32, #tpu.memory_space<hbm>>, %arg6: memref<2x10000x128xf32, #tpu.memory_space<hbm>>, %arg7: memref<200x50xi32, #tpu.memory_space<vmem>>, %arg8: memref<200x50xi32, #tpu.memory_space<vmem>>, %arg9: memref<10000x128xf32, #tpu.memory_space<vmem_shared>>, %arg10: memref<50x128xf32, #tpu.memory_space<vmem>>, %arg11: memref<50x128xf32, #tpu.memory_space<vmem>>, %arg12: memref<50x128xf32, #tpu.memory_space<vmem>>, %arg13: memref<50x128xf32, #tpu.memory_space<vmem>>, %arg14: memref<!tpu.dma_semaphore, #tpu.memory_space<semaphore_mem>>, %arg15: memref<!tpu.dma_semaphore, #tpu.memory_space<semaphore_mem>>, %arg16: memref<!tpu.dma_semaphore, #tpu.memory_space<semaphore_mem>>, %arg17: memref<!tpu.dma_semaphore, #tpu.memory_space<semaphore_mem>>, %arg18: memref<!tpu.dma_semaphore, #tpu.memory_space<semaphore_mem>>, %arg19: memref<!tpu.dma_semaphore, #tpu.memory_space<semaphore_mem>>, %arg20: memref<!tpu.dma_semaphore, #tpu.memory_space<semaphore_mem>>, %arg21: memref<!tpu.dma_semaphore, #tpu.memory_space<semaphore_mem>>) attributes {dimension_semantics = [#tpu.dimension_semantics<core_parallel>, #tpu.dimension_semantics<subcore_parallel>], iteration_bounds = array<i64: 2, 16>, scalar_prefetch = 0 : i64, scratch_operands = 15 : i64, tpu.core_type = #tpu.core_type<sc_vector_subcore>, window_params = [{transform_indices = #map}, {transform_indices = #map1}, {transform_indices = #map1}, {transform_indices = #map}, {transform_indices = #map1}]} {
    %mul3A = arith.constant 16 : i32
    %mul3A_0 = arith.muli %arg0, %mul3A : i32
    %add3A = arith.addi %mul3A_0, %arg1 : i32
    %mul3A_1 = arith.constant 625 : i32
    %mul3A_2 = arith.muli %arg1, %mul3A_1 : i32
    %scan3A = arith.constant 0 : i32
    %scan3A_3 = arith.constant 0 : i32
    %scan3A_4 = arith.constant 5 : i32
    %scan3A_5 = arith.addi %scan3A_3, %scan3A_4 : i32
    %scan3A_6 = arith.constant 1 : i32
    scf.for %scan3A_60 = %scan3A_3 to %scan3A_5 step %scan3A_6  : i32 {
      %mul3A_61 = arith.constant 125 : i32
      %mul3A_62 = arith.muli %scan3A_60, %mul3A_61 : i32
      %add3A_63 = arith.addi %mul3A_2, %mul3A_62 : i32
      %mul3A_64 = arith.constant 125 : i32
      %mul3A_65 = arith.muli %scan3A_60, %mul3A_64 : i32
      %add3A_66 = arith.addi %mul3A_2, %mul3A_65 : i32
      %dma_start3A_67 = arith.constant 0 : i32
      %dma_start3A_68 = tpu.memref_slice %arg9[%add3A_66, %dma_start3A_67] : memref<10000x128xf32, #tpu.memory_space<vmem_shared>> -> memref<125x128xf32, #tpu.memory_space<vmem_shared>>
      %dma_start3A_69 = arith.constant 0 : i32
      %dma_start3A_70 = tpu.memref_slice %arg5[%add3A_63, %dma_start3A_69] : memref<10000x128xf32, #tpu.memory_space<hbm>> -> memref<125x128xf32, #tpu.memory_space<hbm>>
      tpu.enqueue_dma source(%dma_start3A_70 : memref<125x128xf32, #tpu.memory_space<hbm>>) target(%dma_start3A_68 : memref<125x128xf32, #tpu.memory_space<vmem_shared>>) target_semaphore(%arg14 : memref<!tpu.dma_semaphore, #tpu.memory_space<semaphore_mem>>)
    }
    %scan3A_7 = arith.constant 5 : i32
    %scan3A_8 = arith.constant 0 : i32
    %scan3A_9 = arith.constant 0 : i32
    %scan3A_10 = arith.constant 5 : i32
    %scan3A_11 = arith.addi %scan3A_9, %scan3A_10 : i32
    %scan3A_12 = arith.constant 1 : i32
    scf.for %scan3A_60 = %scan3A_9 to %scan3A_11 step %scan3A_12  : i32 {
      %dma_wait3A = arith.constant 0 : i32
      %dma_wait3A_61 = arith.constant 0 : i32
      %dma_wait3A_62 = tpu.memref_slice %arg9[%dma_wait3A, %dma_wait3A_61] : memref<10000x128xf32, #tpu.memory_space<vmem_shared>> -> memref<125x128xf32, #tpu.memory_space<vmem_shared>>
      %dma_wait3A_63 = arith.constant 0 : i32
      %dma_wait3A_64 = arith.constant 0 : i32
      %dma_wait3A_65 = tpu.memref_slice %arg5[%dma_wait3A_63, %dma_wait3A_64] : memref<10000x128xf32, #tpu.memory_space<hbm>> -> memref<125x128xf32, #tpu.memory_space<hbm>>
      tpu.wait_dma2 semaphore(%arg14 : memref<!tpu.dma_semaphore, #tpu.memory_space<semaphore_mem>>) src(%dma_wait3A_65 : memref<125x128xf32, #tpu.memory_space<hbm>>) dst(%dma_wait3A_62 : memref<125x128xf32, #tpu.memory_space<vmem_shared>>)
    }
    %scan3A_13 = arith.constant 5 : i32
    "tpu.region"() ({
      %run_scoped3A = tpu.sem_alloc : memref<!tpu.dma_semaphore, #tpu.memory_space<semaphore_mem>>
      %dma_start3A_60 = arith.constant 0 : i32
      %dma_start3A_61 = arith.constant 0 : i32
      %dma_start3A_62 = tpu.memref_slice %arg3[%add3A, %dma_start3A_60, %dma_start3A_61] : memref<32x200x50xi32, #tpu.memory_space<hbm>> -> memref<1x200x50xi32, #tpu.memory_space<hbm>>
      %dma_start3A_63 = tpu.memref_squeeze %dma_start3A_62 : memref<1x200x50xi32, #tpu.memory_space<hbm>> -> memref<200x50xi32, #tpu.memory_space<hbm>>
      %dma_start3A_64 = arith.constant 0 : i32
      %dma_start3A_65 = arith.constant 0 : i32
      %dma_start3A_66 = tpu.memref_slice %arg3[%add3A, %dma_start3A_64, %dma_start3A_65] : memref<32x200x50xi32, #tpu.memory_space<hbm>> -> memref<1x200x50xi32, #tpu.memory_space<hbm>>
      %dma_start3A_67 = tpu.memref_squeeze %dma_start3A_66 : memref<1x200x50xi32, #tpu.memory_space<hbm>> -> memref<200x50xi32, #tpu.memory_space<hbm>>
      tpu.enqueue_dma source(%dma_start3A_67 : memref<200x50xi32, #tpu.memory_space<hbm>>) target(%arg7 : memref<200x50xi32, #tpu.memory_space<vmem>>) target_semaphore(%run_scoped3A : memref<!tpu.dma_semaphore, #tpu.memory_space<semaphore_mem>>)
      %dma_wait3A = arith.constant 0 : i32
      %dma_wait3A_68 = arith.constant 0 : i32
      %dma_wait3A_69 = tpu.memref_slice %arg3[%add3A, %dma_wait3A, %dma_wait3A_68] : memref<32x200x50xi32, #tpu.memory_space<hbm>> -> memref<1x200x50xi32, #tpu.memory_space<hbm>>
      %dma_wait3A_70 = tpu.memref_squeeze %dma_wait3A_69 : memref<1x200x50xi32, #tpu.memory_space<hbm>> -> memref<200x50xi32, #tpu.memory_space<hbm>>
      %dma_wait3A_71 = arith.constant 0 : i32
      %dma_wait3A_72 = arith.constant 0 : i32
      %dma_wait3A_73 = tpu.memref_slice %arg3[%add3A, %dma_wait3A_71, %dma_wait3A_72] : memref<32x200x50xi32, #tpu.memory_space<hbm>> -> memref<1x200x50xi32, #tpu.memory_space<hbm>>
      %dma_wait3A_74 = tpu.memref_squeeze %dma_wait3A_73 : memref<1x200x50xi32, #tpu.memory_space<hbm>> -> memref<200x50xi32, #tpu.memory_space<hbm>>
      tpu.wait_dma2 semaphore(%run_scoped3A : memref<!tpu.dma_semaphore, #tpu.memory_space<semaphore_mem>>) src(%dma_wait3A_74 : memref<200x50xi32, #tpu.memory_space<hbm>>) dst(%arg7 : memref<200x50xi32, #tpu.memory_space<vmem>>)
      tpu.yield
    }) : () -> ()
    "tpu.region"() ({
      %run_scoped3A = tpu.sem_alloc : memref<!tpu.dma_semaphore, #tpu.memory_space<semaphore_mem>>
      %dma_start3A_60 = arith.constant 0 : i32
      %dma_start3A_61 = arith.constant 0 : i32
      %dma_start3A_62 = tpu.memref_slice %arg4[%add3A, %dma_start3A_60, %dma_start3A_61] : memref<32x200x50xi32, #tpu.memory_space<hbm>> -> memref<1x200x50xi32, #tpu.memory_space<hbm>>
      %dma_start3A_63 = tpu.memref_squeeze %dma_start3A_62 : memref<1x200x50xi32, #tpu.memory_space<hbm>> -> memref<200x50xi32, #tpu.memory_space<hbm>>
      %dma_start3A_64 = arith.constant 0 : i32
      %dma_start3A_65 = arith.constant 0 : i32
      %dma_start3A_66 = tpu.memref_slice %arg4[%add3A, %dma_start3A_64, %dma_start3A_65] : memref<32x200x50xi32, #tpu.memory_space<hbm>> -> memref<1x200x50xi32, #tpu.memory_space<hbm>>
      %dma_start3A_67 = tpu.memref_squeeze %dma_start3A_66 : memref<1x200x50xi32, #tpu.memory_space<hbm>> -> memref<200x50xi32, #tpu.memory_space<hbm>>
      tpu.enqueue_dma source(%dma_start3A_67 : memref<200x50xi32, #tpu.memory_space<hbm>>) target(%arg8 : memref<200x50xi32, #tpu.memory_space<vmem>>) target_semaphore(%run_scoped3A : memref<!tpu.dma_semaphore, #tpu.memory_space<semaphore_mem>>)
      %dma_wait3A = arith.constant 0 : i32
      %dma_wait3A_68 = arith.constant 0 : i32
      %dma_wait3A_69 = tpu.memref_slice %arg4[%add3A, %dma_wait3A, %dma_wait3A_68] : memref<32x200x50xi32, #tpu.memory_space<hbm>> -> memref<1x200x50xi32, #tpu.memory_space<hbm>>
      %dma_wait3A_70 = tpu.memref_squeeze %dma_wait3A_69 : memref<1x200x50xi32, #tpu.memory_space<hbm>> -> memref<200x50xi32, #tpu.memory_space<hbm>>
      %dma_wait3A_71 = arith.constant 0 : i32
      %dma_wait3A_72 = arith.constant 0 : i32
      %dma_wait3A_73 = tpu.memref_slice %arg4[%add3A, %dma_wait3A_71, %dma_wait3A_72] : memref<32x200x50xi32, #tpu.memory_space<hbm>> -> memref<1x200x50xi32, #tpu.memory_space<hbm>>
      %dma_wait3A_74 = tpu.memref_squeeze %dma_wait3A_73 : memref<1x200x50xi32, #tpu.memory_space<hbm>> -> memref<200x50xi32, #tpu.memory_space<hbm>>
      tpu.wait_dma2 semaphore(%run_scoped3A : memref<!tpu.dma_semaphore, #tpu.memory_space<semaphore_mem>>) src(%dma_wait3A_74 : memref<200x50xi32, #tpu.memory_space<hbm>>) dst(%arg8 : memref<200x50xi32, #tpu.memory_space<vmem>>)
      tpu.yield
    }) : () -> ()
    %barrier3A = arith.constant 0 : index
    tpu.barrier barrier_id(%barrier3A)
    %dma_start3A = arith.constant 0 : i32
    %dma_start3A_14 = arith.constant 0 : i32
    %dma_start3A_15 = tpu.memref_slice %arg7[%dma_start3A, %dma_start3A_14] : memref<200x50xi32, #tpu.memory_space<vmem>> -> memref<1x50xi32, #tpu.memory_space<vmem>>
    %dma_start3A_16 = tpu.memref_squeeze %dma_start3A_15 : memref<1x50xi32, #tpu.memory_space<vmem>> -> memref<50xi32, #tpu.memory_space<vmem>>
    %dma_start3A_17 = arith.constant 0 : i32
    %dma_start3A_18 = arith.constant 0 : i32
    %dma_start3A_19 = tpu.memref_slice %arg2[%dma_start3A_17, %dma_start3A_18] : memref<10000x128xf32, #tpu.memory_space<hbm>> -> memref<10000x128xf32, #tpu.memory_space<hbm>>
    tpu.enqueue_indirect_dma source(%dma_start3A_19 : memref<10000x128xf32, #tpu.memory_space<hbm>>) target(%arg10 : memref<50x128xf32, #tpu.memory_space<vmem>>) offsets(%dma_start3A_16 : memref<50xi32, #tpu.memory_space<vmem>>) semaphore(%arg14 : memref<!tpu.dma_semaphore, #tpu.memory_space<semaphore_mem>>)
    %dma_start3A_20 = arith.constant 1 : i32
    %dma_start3A_21 = arith.constant 0 : i32
    %dma_start3A_22 = tpu.memref_slice %arg7[%dma_start3A_20, %dma_start3A_21] : memref<200x50xi32, #tpu.memory_space<vmem>> -> memref<1x50xi32, #tpu.memory_space<vmem>>
    %dma_start3A_23 = tpu.memref_squeeze %dma_start3A_22 : memref<1x50xi32, #tpu.memory_space<vmem>> -> memref<50xi32, #tpu.memory_space<vmem>>
    %dma_start3A_24 = arith.constant 0 : i32
    %dma_start3A_25 = arith.constant 0 : i32
    %dma_start3A_26 = tpu.memref_slice %arg2[%dma_start3A_24, %dma_start3A_25] : memref<10000x128xf32, #tpu.memory_space<hbm>> -> memref<10000x128xf32, #tpu.memory_space<hbm>>
    tpu.enqueue_indirect_dma source(%dma_start3A_26 : memref<10000x128xf32, #tpu.memory_space<hbm>>) target(%arg11 : memref<50x128xf32, #tpu.memory_space<vmem>>) offsets(%dma_start3A_23 : memref<50xi32, #tpu.memory_space<vmem>>) semaphore(%arg15 : memref<!tpu.dma_semaphore, #tpu.memory_space<semaphore_mem>>)
    %dma_start3A_27 = arith.constant 2 : i32
    %dma_start3A_28 = arith.constant 0 : i32
    %dma_start3A_29 = tpu.memref_slice %arg7[%dma_start3A_27, %dma_start3A_28] : memref<200x50xi32, #tpu.memory_space<vmem>> -> memref<1x50xi32, #tpu.memory_space<vmem>>
    %dma_start3A_30 = tpu.memref_squeeze %dma_start3A_29 : memref<1x50xi32, #tpu.memory_space<vmem>> -> memref<50xi32, #tpu.memory_space<vmem>>
    %dma_start3A_31 = arith.constant 0 : i32
    %dma_start3A_32 = arith.constant 0 : i32
    %dma_start3A_33 = tpu.memref_slice %arg2[%dma_start3A_31, %dma_start3A_32] : memref<10000x128xf32, #tpu.memory_space<hbm>> -> memref<10000x128xf32, #tpu.memory_space<hbm>>
    tpu.enqueue_indirect_dma source(%dma_start3A_33 : memref<10000x128xf32, #tpu.memory_space<hbm>>) target(%arg12 : memref<50x128xf32, #tpu.memory_space<vmem>>) offsets(%dma_start3A_30 : memref<50xi32, #tpu.memory_space<vmem>>) semaphore(%arg16 : memref<!tpu.dma_semaphore, #tpu.memory_space<semaphore_mem>>)
    %dma_start3A_34 = arith.constant 3 : i32
    %dma_start3A_35 = arith.constant 0 : i32
    %dma_start3A_36 = tpu.memref_slice %arg7[%dma_start3A_34, %dma_start3A_35] : memref<200x50xi32, #tpu.memory_space<vmem>> -> memref<1x50xi32, #tpu.memory_space<vmem>>
    %dma_start3A_37 = tpu.memref_squeeze %dma_start3A_36 : memref<1x50xi32, #tpu.memory_space<vmem>> -> memref<50xi32, #tpu.memory_space<vmem>>
    %dma_start3A_38 = arith.constant 0 : i32
    %dma_start3A_39 = arith.constant 0 : i32
    %dma_start3A_40 = tpu.memref_slice %arg2[%dma_start3A_38, %dma_start3A_39] : memref<10000x128xf32, #tpu.memory_space<hbm>> -> memref<10000x128xf32, #tpu.memory_space<hbm>>
    tpu.enqueue_indirect_dma source(%dma_start3A_40 : memref<10000x128xf32, #tpu.memory_space<hbm>>) target(%arg13 : memref<50x128xf32, #tpu.memory_space<vmem>>) offsets(%dma_start3A_37 : memref<50xi32, #tpu.memory_space<vmem>>) semaphore(%arg17 : memref<!tpu.dma_semaphore, #tpu.memory_space<semaphore_mem>>)
    %scan3A_41 = arith.constant 0 : i32
    %scan3A_42 = arith.constant 0 : i32
    %scan3A_43 = arith.constant 50 : i32
    %scan3A_44 = arith.addi %scan3A_42, %scan3A_43 : i32
    %scan3A_45 = arith.constant 1 : i32
    scf.for %scan3A_60 = %scan3A_42 to %scan3A_44 step %scan3A_45  : i32 {
      %mul3A_61 = arith.constant 4 : i32
      %mul3A_62 = arith.muli %scan3A_60, %mul3A_61 : i32
      %add3A_63 = arith.constant 0 : i32
      %add3A_64 = arith.addi %mul3A_62, %add3A_63 : i32
      %dma_wait3A = arith.constant 0 : i32
      %dma_wait3A_65 = arith.constant 0 : i32
      %dma_wait3A_66 = tpu.memref_slice %arg2[%dma_wait3A, %dma_wait3A_65] : memref<10000x128xf32, #tpu.memory_space<hbm>> -> memref<50x128xf32, #tpu.memory_space<hbm>>
      %dma_wait3A_67 = arith.constant 0 : i32
      %dma_wait3A_68 = arith.constant 0 : i32
      %dma_wait3A_69 = tpu.memref_slice %arg2[%dma_wait3A_67, %dma_wait3A_68] : memref<10000x128xf32, #tpu.memory_space<hbm>> -> memref<50x128xf32, #tpu.memory_space<hbm>>
      tpu.wait_dma2 semaphore(%arg14 : memref<!tpu.dma_semaphore, #tpu.memory_space<semaphore_mem>>) src(%dma_wait3A_69 : memref<50x128xf32, #tpu.memory_space<hbm>>) dst(%arg10 : memref<50x128xf32, #tpu.memory_space<vmem>>)
      %dma_start3A_70 = arith.constant 0 : i32
      %dma_start3A_71 = tpu.memref_slice %arg8[%add3A_64, %dma_start3A_70] : memref<200x50xi32, #tpu.memory_space<vmem>> -> memref<1x50xi32, #tpu.memory_space<vmem>>
      %dma_start3A_72 = tpu.memref_squeeze %dma_start3A_71 : memref<1x50xi32, #tpu.memory_space<vmem>> -> memref<50xi32, #tpu.memory_space<vmem>>
      %dma_start3A_73 = arith.constant 0 : i32
      %dma_start3A_74 = arith.constant 0 : i32
      %dma_start3A_75 = tpu.memref_slice %arg9[%dma_start3A_73, %dma_start3A_74] : memref<10000x128xf32, #tpu.memory_space<vmem_shared>> -> memref<10000x128xf32, #tpu.memory_space<vmem_shared>>
      tpu.enqueue_indirect_dma source(%arg10 : memref<50x128xf32, #tpu.memory_space<vmem>>) target(%dma_start3A_75 : memref<10000x128xf32, #tpu.memory_space<vmem_shared>>) offsets(%dma_start3A_72 : memref<50xi32, #tpu.memory_space<vmem>>) semaphore(%arg18 : memref<!tpu.dma_semaphore, #tpu.memory_space<semaphore_mem>>) {add = true}
      %dma_wait3A_76 = arith.constant 0 : i32
      %dma_wait3A_77 = arith.constant 0 : i32
      %dma_wait3A_78 = tpu.memref_slice %arg9[%dma_wait3A_76, %dma_wait3A_77] : memref<10000x128xf32, #tpu.memory_space<vmem_shared>> -> memref<50x128xf32, #tpu.memory_space<vmem_shared>>
      %dma_wait3A_79 = arith.constant 0 : i32
      %dma_wait3A_80 = arith.constant 0 : i32
      %dma_wait3A_81 = tpu.memref_slice %arg9[%dma_wait3A_79, %dma_wait3A_80] : memref<10000x128xf32, #tpu.memory_space<vmem_shared>> -> memref<50x128xf32, #tpu.memory_space<vmem_shared>>
      tpu.wait_dma2 semaphore(%arg18 : memref<!tpu.dma_semaphore, #tpu.memory_space<semaphore_mem>>) src(%arg10 : memref<50x128xf32, #tpu.memory_space<vmem>>) dst(%dma_wait3A_81 : memref<50x128xf32, #tpu.memory_space<vmem_shared>>)
      %add3A_82 = arith.constant 4 : i32
      %add3A_83 = arith.addi %add3A_64, %add3A_82 : i32
      %lt3A = arith.constant 200 : i32
      %lt3A_84 = arith.cmpi slt, %add3A_83, %lt3A : i32
      %convert_element_type3A = arith.extui %lt3A_84 : i1 to i32
      %cond3A = arith.constant 0 : i32
      %cond3A_85 = arith.cmpi ne, %convert_element_type3A, %cond3A : i32
      scf.if %cond3A_85 {
        %add3A_173 = arith.constant 4 : i32
        %add3A_174 = arith.addi %add3A_64, %add3A_173 : i32
        %dma_start3A_175 = arith.constant 0 : i32
        %dma_start3A_176 = tpu.memref_slice %arg7[%add3A_174, %dma_start3A_175] : memref<200x50xi32, #tpu.memory_space<vmem>> -> memref<1x50xi32, #tpu.memory_space<vmem>>
        %dma_start3A_177 = tpu.memref_squeeze %dma_start3A_176 : memref<1x50xi32, #tpu.memory_space<vmem>> -> memref<50xi32, #tpu.memory_space<vmem>>
        %dma_start3A_178 = arith.constant 0 : i32
        %dma_start3A_179 = arith.constant 0 : i32
        %dma_start3A_180 = tpu.memref_slice %arg2[%dma_start3A_178, %dma_start3A_179] : memref<10000x128xf32, #tpu.memory_space<hbm>> -> memref<10000x128xf32, #tpu.memory_space<hbm>>
        tpu.enqueue_indirect_dma source(%dma_start3A_180 : memref<10000x128xf32, #tpu.memory_space<hbm>>) target(%arg10 : memref<50x128xf32, #tpu.memory_space<vmem>>) offsets(%dma_start3A_177 : memref<50xi32, #tpu.memory_space<vmem>>) semaphore(%arg14 : memref<!tpu.dma_semaphore, #tpu.memory_space<semaphore_mem>>)
      } else {
      }
      %mul3A_86 = arith.constant 4 : i32
      %mul3A_87 = arith.muli %scan3A_60, %mul3A_86 : i32
      %add3A_88 = arith.constant 1 : i32
      %add3A_89 = arith.addi %mul3A_87, %add3A_88 : i32
      %dma_wait3A_90 = arith.constant 0 : i32
      %dma_wait3A_91 = arith.constant 0 : i32
      %dma_wait3A_92 = tpu.memref_slice %arg2[%dma_wait3A_90, %dma_wait3A_91] : memref<10000x128xf32, #tpu.memory_space<hbm>> -> memref<50x128xf32, #tpu.memory_space<hbm>>
      %dma_wait3A_93 = arith.constant 0 : i32
      %dma_wait3A_94 = arith.constant 0 : i32
      %dma_wait3A_95 = tpu.memref_slice %arg2[%dma_wait3A_93, %dma_wait3A_94] : memref<10000x128xf32, #tpu.memory_space<hbm>> -> memref<50x128xf32, #tpu.memory_space<hbm>>
      tpu.wait_dma2 semaphore(%arg15 : memref<!tpu.dma_semaphore, #tpu.memory_space<semaphore_mem>>) src(%dma_wait3A_95 : memref<50x128xf32, #tpu.memory_space<hbm>>) dst(%arg11 : memref<50x128xf32, #tpu.memory_space<vmem>>)
      %dma_start3A_96 = arith.constant 0 : i32
      %dma_start3A_97 = tpu.memref_slice %arg8[%add3A_89, %dma_start3A_96] : memref<200x50xi32, #tpu.memory_space<vmem>> -> memref<1x50xi32, #tpu.memory_space<vmem>>
      %dma_start3A_98 = tpu.memref_squeeze %dma_start3A_97 : memref<1x50xi32, #tpu.memory_space<vmem>> -> memref<50xi32, #tpu.memory_space<vmem>>
      %dma_start3A_99 = arith.constant 0 : i32
      %dma_start3A_100 = arith.constant 0 : i32
      %dma_start3A_101 = tpu.memref_slice %arg9[%dma_start3A_99, %dma_start3A_100] : memref<10000x128xf32, #tpu.memory_space<vmem_shared>> -> memref<10000x128xf32, #tpu.memory_space<vmem_shared>>
      tpu.enqueue_indirect_dma source(%arg11 : memref<50x128xf32, #tpu.memory_space<vmem>>) target(%dma_start3A_101 : memref<10000x128xf32, #tpu.memory_space<vmem_shared>>) offsets(%dma_start3A_98 : memref<50xi32, #tpu.memory_space<vmem>>) semaphore(%arg19 : memref<!tpu.dma_semaphore, #tpu.memory_space<semaphore_mem>>) {add = true}
      %dma_wait3A_102 = arith.constant 0 : i32
      %dma_wait3A_103 = arith.constant 0 : i32
      %dma_wait3A_104 = tpu.memref_slice %arg9[%dma_wait3A_102, %dma_wait3A_103] : memref<10000x128xf32, #tpu.memory_space<vmem_shared>> -> memref<50x128xf32, #tpu.memory_space<vmem_shared>>
      %dma_wait3A_105 = arith.constant 0 : i32
      %dma_wait3A_106 = arith.constant 0 : i32
      %dma_wait3A_107 = tpu.memref_slice %arg9[%dma_wait3A_105, %dma_wait3A_106] : memref<10000x128xf32, #tpu.memory_space<vmem_shared>> -> memref<50x128xf32, #tpu.memory_space<vmem_shared>>
      tpu.wait_dma2 semaphore(%arg19 : memref<!tpu.dma_semaphore, #tpu.memory_space<semaphore_mem>>) src(%arg11 : memref<50x128xf32, #tpu.memory_space<vmem>>) dst(%dma_wait3A_107 : memref<50x128xf32, #tpu.memory_space<vmem_shared>>)
      %add3A_108 = arith.constant 4 : i32
      %add3A_109 = arith.addi %add3A_89, %add3A_108 : i32
      %lt3A_110 = arith.constant 200 : i32
      %lt3A_111 = arith.cmpi slt, %add3A_109, %lt3A_110 : i32
      %convert_element_type3A_112 = arith.extui %lt3A_111 : i1 to i32
      %cond3A_113 = arith.constant 0 : i32
      %cond3A_114 = arith.cmpi ne, %convert_element_type3A_112, %cond3A_113 : i32
      scf.if %cond3A_114 {
        %add3A_173 = arith.constant 4 : i32
        %add3A_174 = arith.addi %add3A_89, %add3A_173 : i32
        %dma_start3A_175 = arith.constant 0 : i32
        %dma_start3A_176 = tpu.memref_slice %arg7[%add3A_174, %dma_start3A_175] : memref<200x50xi32, #tpu.memory_space<vmem>> -> memref<1x50xi32, #tpu.memory_space<vmem>>
        %dma_start3A_177 = tpu.memref_squeeze %dma_start3A_176 : memref<1x50xi32, #tpu.memory_space<vmem>> -> memref<50xi32, #tpu.memory_space<vmem>>
        %dma_start3A_178 = arith.constant 0 : i32
        %dma_start3A_179 = arith.constant 0 : i32
        %dma_start3A_180 = tpu.memref_slice %arg2[%dma_start3A_178, %dma_start3A_179] : memref<10000x128xf32, #tpu.memory_space<hbm>> -> memref<10000x128xf32, #tpu.memory_space<hbm>>
        tpu.enqueue_indirect_dma source(%dma_start3A_180 : memref<10000x128xf32, #tpu.memory_space<hbm>>) target(%arg11 : memref<50x128xf32, #tpu.memory_space<vmem>>) offsets(%dma_start3A_177 : memref<50xi32, #tpu.memory_space<vmem>>) semaphore(%arg15 : memref<!tpu.dma_semaphore, #tpu.memory_space<semaphore_mem>>)
      } else {
      }
      %mul3A_115 = arith.constant 4 : i32
      %mul3A_116 = arith.muli %scan3A_60, %mul3A_115 : i32
      %add3A_117 = arith.constant 2 : i32
      %add3A_118 = arith.addi %mul3A_116, %add3A_117 : i32
      %dma_wait3A_119 = arith.constant 0 : i32
      %dma_wait3A_120 = arith.constant 0 : i32
      %dma_wait3A_121 = tpu.memref_slice %arg2[%dma_wait3A_119, %dma_wait3A_120] : memref<10000x128xf32, #tpu.memory_space<hbm>> -> memref<50x128xf32, #tpu.memory_space<hbm>>
      %dma_wait3A_122 = arith.constant 0 : i32
      %dma_wait3A_123 = arith.constant 0 : i32
      %dma_wait3A_124 = tpu.memref_slice %arg2[%dma_wait3A_122, %dma_wait3A_123] : memref<10000x128xf32, #tpu.memory_space<hbm>> -> memref<50x128xf32, #tpu.memory_space<hbm>>
      tpu.wait_dma2 semaphore(%arg16 : memref<!tpu.dma_semaphore, #tpu.memory_space<semaphore_mem>>) src(%dma_wait3A_124 : memref<50x128xf32, #tpu.memory_space<hbm>>) dst(%arg12 : memref<50x128xf32, #tpu.memory_space<vmem>>)
      %dma_start3A_125 = arith.constant 0 : i32
      %dma_start3A_126 = tpu.memref_slice %arg8[%add3A_118, %dma_start3A_125] : memref<200x50xi32, #tpu.memory_space<vmem>> -> memref<1x50xi32, #tpu.memory_space<vmem>>
      %dma_start3A_127 = tpu.memref_squeeze %dma_start3A_126 : memref<1x50xi32, #tpu.memory_space<vmem>> -> memref<50xi32, #tpu.memory_space<vmem>>
      %dma_start3A_128 = arith.constant 0 : i32
      %dma_start3A_129 = arith.constant 0 : i32
      %dma_start3A_130 = tpu.memref_slice %arg9[%dma_start3A_128, %dma_start3A_129] : memref<10000x128xf32, #tpu.memory_space<vmem_shared>> -> memref<10000x128xf32, #tpu.memory_space<vmem_shared>>
      tpu.enqueue_indirect_dma source(%arg12 : memref<50x128xf32, #tpu.memory_space<vmem>>) target(%dma_start3A_130 : memref<10000x128xf32, #tpu.memory_space<vmem_shared>>) offsets(%dma_start3A_127 : memref<50xi32, #tpu.memory_space<vmem>>) semaphore(%arg20 : memref<!tpu.dma_semaphore, #tpu.memory_space<semaphore_mem>>) {add = true}
      %dma_wait3A_131 = arith.constant 0 : i32
      %dma_wait3A_132 = arith.constant 0 : i32
      %dma_wait3A_133 = tpu.memref_slice %arg9[%dma_wait3A_131, %dma_wait3A_132] : memref<10000x128xf32, #tpu.memory_space<vmem_shared>> -> memref<50x128xf32, #tpu.memory_space<vmem_shared>>
      %dma_wait3A_134 = arith.constant 0 : i32
      %dma_wait3A_135 = arith.constant 0 : i32
      %dma_wait3A_136 = tpu.memref_slice %arg9[%dma_wait3A_134, %dma_wait3A_135] : memref<10000x128xf32, #tpu.memory_space<vmem_shared>> -> memref<50x128xf32, #tpu.memory_space<vmem_shared>>
      tpu.wait_dma2 semaphore(%arg20 : memref<!tpu.dma_semaphore, #tpu.memory_space<semaphore_mem>>) src(%arg12 : memref<50x128xf32, #tpu.memory_space<vmem>>) dst(%dma_wait3A_136 : memref<50x128xf32, #tpu.memory_space<vmem_shared>>)
      %add3A_137 = arith.constant 4 : i32
      %add3A_138 = arith.addi %add3A_118, %add3A_137 : i32
      %lt3A_139 = arith.constant 200 : i32
      %lt3A_140 = arith.cmpi slt, %add3A_138, %lt3A_139 : i32
      %convert_element_type3A_141 = arith.extui %lt3A_140 : i1 to i32
      %cond3A_142 = arith.constant 0 : i32
      %cond3A_143 = arith.cmpi ne, %convert_element_type3A_141, %cond3A_142 : i32
      scf.if %cond3A_143 {
        %add3A_173 = arith.constant 4 : i32
        %add3A_174 = arith.addi %add3A_118, %add3A_173 : i32
        %dma_start3A_175 = arith.constant 0 : i32
        %dma_start3A_176 = tpu.memref_slice %arg7[%add3A_174, %dma_start3A_175] : memref<200x50xi32, #tpu.memory_space<vmem>> -> memref<1x50xi32, #tpu.memory_space<vmem>>
        %dma_start3A_177 = tpu.memref_squeeze %dma_start3A_176 : memref<1x50xi32, #tpu.memory_space<vmem>> -> memref<50xi32, #tpu.memory_space<vmem>>
        %dma_start3A_178 = arith.constant 0 : i32
        %dma_start3A_179 = arith.constant 0 : i32
        %dma_start3A_180 = tpu.memref_slice %arg2[%dma_start3A_178, %dma_start3A_179] : memref<10000x128xf32, #tpu.memory_space<hbm>> -> memref<10000x128xf32, #tpu.memory_space<hbm>>
        tpu.enqueue_indirect_dma source(%dma_start3A_180 : memref<10000x128xf32, #tpu.memory_space<hbm>>) target(%arg12 : memref<50x128xf32, #tpu.memory_space<vmem>>) offsets(%dma_start3A_177 : memref<50xi32, #tpu.memory_space<vmem>>) semaphore(%arg16 : memref<!tpu.dma_semaphore, #tpu.memory_space<semaphore_mem>>)
      } else {
      }
      %mul3A_144 = arith.constant 4 : i32
      %mul3A_145 = arith.muli %scan3A_60, %mul3A_144 : i32
      %add3A_146 = arith.constant 3 : i32
      %add3A_147 = arith.addi %mul3A_145, %add3A_146 : i32
      %dma_wait3A_148 = arith.constant 0 : i32
      %dma_wait3A_149 = arith.constant 0 : i32
      %dma_wait3A_150 = tpu.memref_slice %arg2[%dma_wait3A_148, %dma_wait3A_149] : memref<10000x128xf32, #tpu.memory_space<hbm>> -> memref<50x128xf32, #tpu.memory_space<hbm>>
      %dma_wait3A_151 = arith.constant 0 : i32
      %dma_wait3A_152 = arith.constant 0 : i32
      %dma_wait3A_153 = tpu.memref_slice %arg2[%dma_wait3A_151, %dma_wait3A_152] : memref<10000x128xf32, #tpu.memory_space<hbm>> -> memref<50x128xf32, #tpu.memory_space<hbm>>
      tpu.wait_dma2 semaphore(%arg17 : memref<!tpu.dma_semaphore, #tpu.memory_space<semaphore_mem>>) src(%dma_wait3A_153 : memref<50x128xf32, #tpu.memory_space<hbm>>) dst(%arg13 : memref<50x128xf32, #tpu.memory_space<vmem>>)
      %dma_start3A_154 = arith.constant 0 : i32
      %dma_start3A_155 = tpu.memref_slice %arg8[%add3A_147, %dma_start3A_154] : memref<200x50xi32, #tpu.memory_space<vmem>> -> memref<1x50xi32, #tpu.memory_space<vmem>>
      %dma_start3A_156 = tpu.memref_squeeze %dma_start3A_155 : memref<1x50xi32, #tpu.memory_space<vmem>> -> memref<50xi32, #tpu.memory_space<vmem>>
      %dma_start3A_157 = arith.constant 0 : i32
      %dma_start3A_158 = arith.constant 0 : i32
      %dma_start3A_159 = tpu.memref_slice %arg9[%dma_start3A_157, %dma_start3A_158] : memref<10000x128xf32, #tpu.memory_space<vmem_shared>> -> memref<10000x128xf32, #tpu.memory_space<vmem_shared>>
      tpu.enqueue_indirect_dma source(%arg13 : memref<50x128xf32, #tpu.memory_space<vmem>>) target(%dma_start3A_159 : memref<10000x128xf32, #tpu.memory_space<vmem_shared>>) offsets(%dma_start3A_156 : memref<50xi32, #tpu.memory_space<vmem>>) semaphore(%arg21 : memref<!tpu.dma_semaphore, #tpu.memory_space<semaphore_mem>>) {add = true}
      %dma_wait3A_160 = arith.constant 0 : i32
      %dma_wait3A_161 = arith.constant 0 : i32
      %dma_wait3A_162 = tpu.memref_slice %arg9[%dma_wait3A_160, %dma_wait3A_161] : memref<10000x128xf32, #tpu.memory_space<vmem_shared>> -> memref<50x128xf32, #tpu.memory_space<vmem_shared>>
      %dma_wait3A_163 = arith.constant 0 : i32
      %dma_wait3A_164 = arith.constant 0 : i32
      %dma_wait3A_165 = tpu.memref_slice %arg9[%dma_wait3A_163, %dma_wait3A_164] : memref<10000x128xf32, #tpu.memory_space<vmem_shared>> -> memref<50x128xf32, #tpu.memory_space<vmem_shared>>
      tpu.wait_dma2 semaphore(%arg21 : memref<!tpu.dma_semaphore, #tpu.memory_space<semaphore_mem>>) src(%arg13 : memref<50x128xf32, #tpu.memory_space<vmem>>) dst(%dma_wait3A_165 : memref<50x128xf32, #tpu.memory_space<vmem_shared>>)
      %add3A_166 = arith.constant 4 : i32
      %add3A_167 = arith.addi %add3A_147, %add3A_166 : i32
      %lt3A_168 = arith.constant 200 : i32
      %lt3A_169 = arith.cmpi slt, %add3A_167, %lt3A_168 : i32
      %convert_element_type3A_170 = arith.extui %lt3A_169 : i1 to i32
      %cond3A_171 = arith.constant 0 : i32
      %cond3A_172 = arith.cmpi ne, %convert_element_type3A_170, %cond3A_171 : i32
      scf.if %cond3A_172 {
        %add3A_173 = arith.constant 4 : i32
        %add3A_174 = arith.addi %add3A_147, %add3A_173 : i32
        %dma_start3A_175 = arith.constant 0 : i32
        %dma_start3A_176 = tpu.memref_slice %arg7[%add3A_174, %dma_start3A_175] : memref<200x50xi32, #tpu.memory_space<vmem>> -> memref<1x50xi32, #tpu.memory_space<vmem>>
        %dma_start3A_177 = tpu.memref_squeeze %dma_start3A_176 : memref<1x50xi32, #tpu.memory_space<vmem>> -> memref<50xi32, #tpu.memory_space<vmem>>
        %dma_start3A_178 = arith.constant 0 : i32
        %dma_start3A_179 = arith.constant 0 : i32
        %dma_start3A_180 = tpu.memref_slice %arg2[%dma_start3A_178, %dma_start3A_179] : memref<10000x128xf32, #tpu.memory_space<hbm>> -> memref<10000x128xf32, #tpu.memory_space<hbm>>
        tpu.enqueue_indirect_dma source(%dma_start3A_180 : memref<10000x128xf32, #tpu.memory_space<hbm>>) target(%arg13 : memref<50x128xf32, #tpu.memory_space<vmem>>) offsets(%dma_start3A_177 : memref<50xi32, #tpu.memory_space<vmem>>) semaphore(%arg17 : memref<!tpu.dma_semaphore, #tpu.memory_space<semaphore_mem>>)
      } else {
      }
    }
    %scan3A_46 = arith.constant 50 : i32
    %barrier3A_47 = arith.constant 0 : index
    tpu.barrier barrier_id(%barrier3A_47)
    %scan3A_48 = arith.constant 0 : i32
    %scan3A_49 = arith.constant 0 : i32
    %scan3A_50 = arith.constant 5 : i32
    %scan3A_51 = arith.addi %scan3A_49, %scan3A_50 : i32
    %scan3A_52 = arith.constant 1 : i32
    scf.for %scan3A_60 = %scan3A_49 to %scan3A_51 step %scan3A_52  : i32 {
      %mul3A_61 = arith.constant 125 : i32
      %mul3A_62 = arith.muli %scan3A_60, %mul3A_61 : i32
      %add3A_63 = arith.addi %mul3A_2, %mul3A_62 : i32
      %mul3A_64 = arith.constant 125 : i32
      %mul3A_65 = arith.muli %scan3A_60, %mul3A_64 : i32
      %add3A_66 = arith.addi %mul3A_2, %mul3A_65 : i32
      %dma_start3A_67 = arith.constant 0 : i32
      %dma_start3A_68 = tpu.memref_slice %arg6[%arg0, %add3A_66, %dma_start3A_67] : memref<2x10000x128xf32, #tpu.memory_space<hbm>> -> memref<1x125x128xf32, #tpu.memory_space<hbm>>
      %dma_start3A_69 = tpu.memref_squeeze %dma_start3A_68 : memref<1x125x128xf32, #tpu.memory_space<hbm>> -> memref<125x128xf32, #tpu.memory_space<hbm>>
      %dma_start3A_70 = arith.constant 0 : i32
      %dma_start3A_71 = tpu.memref_slice %arg9[%add3A_63, %dma_start3A_70] : memref<10000x128xf32, #tpu.memory_space<vmem_shared>> -> memref<125x128xf32, #tpu.memory_space<vmem_shared>>
      tpu.enqueue_dma source(%dma_start3A_71 : memref<125x128xf32, #tpu.memory_space<vmem_shared>>) target(%dma_start3A_69 : memref<125x128xf32, #tpu.memory_space<hbm>>) target_semaphore(%arg14 : memref<!tpu.dma_semaphore, #tpu.memory_space<semaphore_mem>>)
    }
    %scan3A_53 = arith.constant 5 : i32
    %scan3A_54 = arith.constant 0 : i32
    %scan3A_55 = arith.constant 0 : i32
    %scan3A_56 = arith.constant 5 : i32
    %scan3A_57 = arith.addi %scan3A_55, %scan3A_56 : i32
    %scan3A_58 = arith.constant 1 : i32
    scf.for %scan3A_60 = %scan3A_55 to %scan3A_57 step %scan3A_58  : i32 {
      %dma_wait3A = arith.constant 0 : i32
      %dma_wait3A_61 = arith.constant 0 : i32
      %dma_wait3A_62 = tpu.memref_slice %arg6[%arg0, %dma_wait3A, %dma_wait3A_61] : memref<2x10000x128xf32, #tpu.memory_space<hbm>> -> memref<1x125x128xf32, #tpu.memory_space<hbm>>
      %dma_wait3A_63 = tpu.memref_squeeze %dma_wait3A_62 : memref<1x125x128xf32, #tpu.memory_space<hbm>> -> memref<125x128xf32, #tpu.memory_space<hbm>>
      %dma_wait3A_64 = arith.constant 0 : i32
      %dma_wait3A_65 = arith.constant 0 : i32
      %dma_wait3A_66 = tpu.memref_slice %arg9[%dma_wait3A_64, %dma_wait3A_65] : memref<10000x128xf32, #tpu.memory_space<vmem_shared>> -> memref<125x128xf32, #tpu.memory_space<vmem_shared>>
      tpu.wait_dma2 semaphore(%arg14 : memref<!tpu.dma_semaphore, #tpu.memory_space<semaphore_mem>>) src(%dma_wait3A_66 : memref<125x128xf32, #tpu.memory_space<vmem_shared>>) dst(%dma_wait3A_63 : memref<125x128xf32, #tpu.memory_space<hbm>>)
    }
    %scan3A_59 = arith.constant 5 : i32
    return
  }
}

#map = affine_map<(d0, d1) -> (0, 0, 0)>
#map1 = affine_map<(d0, d1) -> (0)>
#map2 = affine_map<(d0, d1) -> (0, 0)>
module attributes {stable_mosaic.version = 14 : i64} {
  func.func @_deg_body(%arg0: i32, %arg1: i32, %arg2: memref<32x80x125xi32, #tpu.memory_space<hbm>>, %arg3: memref<10000xf32, #tpu.memory_space<hbm>>, %arg4: memref<2x10000xf32, #tpu.memory_space<hbm>>, %arg5: memref<80x125xi32, #tpu.memory_space<vmem>>, %arg6: memref<128xf32, #tpu.memory_space<vmem>>, %arg7: memref<10000xf32, #tpu.memory_space<vmem_shared>>, %arg8: memref<!tpu.dma_semaphore, #tpu.memory_space<semaphore_mem>>) attributes {dimension_semantics = [#tpu.dimension_semantics<core_parallel>, #tpu.dimension_semantics<subcore_parallel>], iteration_bounds = array<i64: 2, 16>, scalar_prefetch = 0 : i64, scratch_operands = 4 : i64, tpu.core_type = #tpu.core_type<sc_vector_subcore>, window_params = [{transform_indices = #map}, {transform_indices = #map1}, {transform_indices = #map2}]} {
    %mul3A = arith.constant 16 : i32
    %mul3A_0 = arith.muli %arg0, %mul3A : i32
    %add3A = arith.addi %mul3A_0, %arg1 : i32
    %broadcast_in_dim3A = arith.constant 1.000000e+00 : f32
    %broadcast_in_dim3A_1 = vector.broadcast %broadcast_in_dim3A : f32 to vector<16xf32>
    %swap3A = arith.constant 0 : index
    %swap3A_2 = tpu.vector_load %arg6[%swap3A] {strides = array<i32>} : memref<128xf32, #tpu.memory_space<vmem>>, vector<16xf32>,
    %swap3A_3 = vector.shape_cast %swap3A_2 : vector<16xf32> to vector<16xf32>
    %swap3A_4 = vector.shape_cast %broadcast_in_dim3A_1 : vector<16xf32> to vector<16xf32>
    tpu.vector_store %arg6[%swap3A], %swap3A_4 {strides = array<i32>} : memref<128xf32, #tpu.memory_space<vmem>>, vector<16xf32>,
    %broadcast_in_dim3A_5 = arith.constant 1.000000e+00 : f32
    %broadcast_in_dim3A_6 = vector.broadcast %broadcast_in_dim3A_5 : f32 to vector<16xf32>
    %swap3A_7 = arith.constant 16 : index
    %swap3A_8 = tpu.vector_load %arg6[%swap3A_7] {strides = array<i32>} : memref<128xf32, #tpu.memory_space<vmem>>, vector<16xf32>,
    %swap3A_9 = vector.shape_cast %swap3A_8 : vector<16xf32> to vector<16xf32>
    %swap3A_10 = vector.shape_cast %broadcast_in_dim3A_6 : vector<16xf32> to vector<16xf32>
    tpu.vector_store %arg6[%swap3A_7], %swap3A_10 {strides = array<i32>} : memref<128xf32, #tpu.memory_space<vmem>>, vector<16xf32>,
    %broadcast_in_dim3A_11 = arith.constant 1.000000e+00 : f32
    %broadcast_in_dim3A_12 = vector.broadcast %broadcast_in_dim3A_11 : f32 to vector<16xf32>
    %swap3A_13 = arith.constant 32 : index
    %swap3A_14 = tpu.vector_load %arg6[%swap3A_13] {strides = array<i32>} : memref<128xf32, #tpu.memory_space<vmem>>, vector<16xf32>,
    %swap3A_15 = vector.shape_cast %swap3A_14 : vector<16xf32> to vector<16xf32>
    %swap3A_16 = vector.shape_cast %broadcast_in_dim3A_12 : vector<16xf32> to vector<16xf32>
    tpu.vector_store %arg6[%swap3A_13], %swap3A_16 {strides = array<i32>} : memref<128xf32, #tpu.memory_space<vmem>>, vector<16xf32>,
    %broadcast_in_dim3A_17 = arith.constant 1.000000e+00 : f32
    %broadcast_in_dim3A_18 = vector.broadcast %broadcast_in_dim3A_17 : f32 to vector<16xf32>
    %swap3A_19 = arith.constant 48 : index
    %swap3A_20 = tpu.vector_load %arg6[%swap3A_19] {strides = array<i32>} : memref<128xf32, #tpu.memory_space<vmem>>, vector<16xf32>,
    %swap3A_21 = vector.shape_cast %swap3A_20 : vector<16xf32> to vector<16xf32>
    %swap3A_22 = vector.shape_cast %broadcast_in_dim3A_18 : vector<16xf32> to vector<16xf32>
    tpu.vector_store %arg6[%swap3A_19], %swap3A_22 {strides = array<i32>} : memref<128xf32, #tpu.memory_space<vmem>>, vector<16xf32>,
    %broadcast_in_dim3A_23 = arith.constant 1.000000e+00 : f32
    %broadcast_in_dim3A_24 = vector.broadcast %broadcast_in_dim3A_23 : f32 to vector<16xf32>
    %swap3A_25 = arith.constant 64 : index
    %swap3A_26 = tpu.vector_load %arg6[%swap3A_25] {strides = array<i32>} : memref<128xf32, #tpu.memory_space<vmem>>, vector<16xf32>,
    %swap3A_27 = vector.shape_cast %swap3A_26 : vector<16xf32> to vector<16xf32>
    %swap3A_28 = vector.shape_cast %broadcast_in_dim3A_24 : vector<16xf32> to vector<16xf32>
    tpu.vector_store %arg6[%swap3A_25], %swap3A_28 {strides = array<i32>} : memref<128xf32, #tpu.memory_space<vmem>>, vector<16xf32>,
    %broadcast_in_dim3A_29 = arith.constant 1.000000e+00 : f32
    %broadcast_in_dim3A_30 = vector.broadcast %broadcast_in_dim3A_29 : f32 to vector<16xf32>
    %swap3A_31 = arith.constant 80 : index
    %swap3A_32 = tpu.vector_load %arg6[%swap3A_31] {strides = array<i32>} : memref<128xf32, #tpu.memory_space<vmem>>, vector<16xf32>,
    %swap3A_33 = vector.shape_cast %swap3A_32 : vector<16xf32> to vector<16xf32>
    %swap3A_34 = vector.shape_cast %broadcast_in_dim3A_30 : vector<16xf32> to vector<16xf32>
    tpu.vector_store %arg6[%swap3A_31], %swap3A_34 {strides = array<i32>} : memref<128xf32, #tpu.memory_space<vmem>>, vector<16xf32>,
    %broadcast_in_dim3A_35 = arith.constant 1.000000e+00 : f32
    %broadcast_in_dim3A_36 = vector.broadcast %broadcast_in_dim3A_35 : f32 to vector<16xf32>
    %swap3A_37 = arith.constant 96 : index
    %swap3A_38 = tpu.vector_load %arg6[%swap3A_37] {strides = array<i32>} : memref<128xf32, #tpu.memory_space<vmem>>, vector<16xf32>,
    %swap3A_39 = vector.shape_cast %swap3A_38 : vector<16xf32> to vector<16xf32>
    %swap3A_40 = vector.shape_cast %broadcast_in_dim3A_36 : vector<16xf32> to vector<16xf32>
    tpu.vector_store %arg6[%swap3A_37], %swap3A_40 {strides = array<i32>} : memref<128xf32, #tpu.memory_space<vmem>>, vector<16xf32>,
    %broadcast_in_dim3A_41 = arith.constant 1.000000e+00 : f32
    %broadcast_in_dim3A_42 = vector.broadcast %broadcast_in_dim3A_41 : f32 to vector<16xf32>
    %swap3A_43 = arith.constant 112 : index
    %swap3A_44 = tpu.vector_load %arg6[%swap3A_43] {strides = array<i32>} : memref<128xf32, #tpu.memory_space<vmem>>, vector<16xf32>,
    %swap3A_45 = vector.shape_cast %swap3A_44 : vector<16xf32> to vector<16xf32>
    %swap3A_46 = vector.shape_cast %broadcast_in_dim3A_42 : vector<16xf32> to vector<16xf32>
    tpu.vector_store %arg6[%swap3A_43], %swap3A_46 {strides = array<i32>} : memref<128xf32, #tpu.memory_space<vmem>>, vector<16xf32>,
    %mul3A_47 = arith.constant 624 : i32
    %mul3A_48 = arith.muli %arg1, %mul3A_47 : i32
    "tpu.region"() ({
      %run_scoped3A = tpu.sem_alloc : memref<!tpu.dma_semaphore, #tpu.memory_space<semaphore_mem>>
      %dma_start3A = tpu.memref_slice %arg7[%mul3A_48] : memref<10000xf32, #tpu.memory_space<vmem_shared>> -> memref<640xf32, #tpu.memory_space<vmem_shared>>
      %dma_start3A_61 = tpu.memref_slice %arg3[%mul3A_48] : memref<10000xf32, #tpu.memory_space<hbm>> -> memref<640xf32, #tpu.memory_space<hbm>>
      tpu.enqueue_dma source(%dma_start3A_61 : memref<640xf32, #tpu.memory_space<hbm>>) target(%dma_start3A : memref<640xf32, #tpu.memory_space<vmem_shared>>) target_semaphore(%run_scoped3A : memref<!tpu.dma_semaphore, #tpu.memory_space<semaphore_mem>>)
      %dma_wait3A = tpu.memref_slice %arg7[%mul3A_48] : memref<10000xf32, #tpu.memory_space<vmem_shared>> -> memref<640xf32, #tpu.memory_space<vmem_shared>>
      %dma_wait3A_62 = tpu.memref_slice %arg3[%mul3A_48] : memref<10000xf32, #tpu.memory_space<hbm>> -> memref<640xf32, #tpu.memory_space<hbm>>
      tpu.wait_dma2 semaphore(%run_scoped3A : memref<!tpu.dma_semaphore, #tpu.memory_space<semaphore_mem>>) src(%dma_wait3A_62 : memref<640xf32, #tpu.memory_space<hbm>>) dst(%dma_wait3A : memref<640xf32, #tpu.memory_space<vmem_shared>>)
      tpu.yield
    }) : () -> ()
    "tpu.region"() ({
      %run_scoped3A = tpu.sem_alloc : memref<!tpu.dma_semaphore, #tpu.memory_space<semaphore_mem>>
      %dma_start3A = arith.constant 0 : i32
      %dma_start3A_61 = arith.constant 0 : i32
      %dma_start3A_62 = tpu.memref_slice %arg2[%add3A, %dma_start3A, %dma_start3A_61] : memref<32x80x125xi32, #tpu.memory_space<hbm>> -> memref<1x80x125xi32, #tpu.memory_space<hbm>>
      %dma_start3A_63 = tpu.memref_squeeze %dma_start3A_62 : memref<1x80x125xi32, #tpu.memory_space<hbm>> -> memref<80x125xi32, #tpu.memory_space<hbm>>
      %dma_start3A_64 = arith.constant 0 : i32
      %dma_start3A_65 = arith.constant 0 : i32
      %dma_start3A_66 = tpu.memref_slice %arg2[%add3A, %dma_start3A_64, %dma_start3A_65] : memref<32x80x125xi32, #tpu.memory_space<hbm>> -> memref<1x80x125xi32, #tpu.memory_space<hbm>>
      %dma_start3A_67 = tpu.memref_squeeze %dma_start3A_66 : memref<1x80x125xi32, #tpu.memory_space<hbm>> -> memref<80x125xi32, #tpu.memory_space<hbm>>
      tpu.enqueue_dma source(%dma_start3A_67 : memref<80x125xi32, #tpu.memory_space<hbm>>) target(%arg5 : memref<80x125xi32, #tpu.memory_space<vmem>>) target_semaphore(%run_scoped3A : memref<!tpu.dma_semaphore, #tpu.memory_space<semaphore_mem>>)
      %dma_wait3A = arith.constant 0 : i32
      %dma_wait3A_68 = arith.constant 0 : i32
      %dma_wait3A_69 = tpu.memref_slice %arg2[%add3A, %dma_wait3A, %dma_wait3A_68] : memref<32x80x125xi32, #tpu.memory_space<hbm>> -> memref<1x80x125xi32, #tpu.memory_space<hbm>>
      %dma_wait3A_70 = tpu.memref_squeeze %dma_wait3A_69 : memref<1x80x125xi32, #tpu.memory_space<hbm>> -> memref<80x125xi32, #tpu.memory_space<hbm>>
      %dma_wait3A_71 = arith.constant 0 : i32
      %dma_wait3A_72 = arith.constant 0 : i32
      %dma_wait3A_73 = tpu.memref_slice %arg2[%add3A, %dma_wait3A_71, %dma_wait3A_72] : memref<32x80x125xi32, #tpu.memory_space<hbm>> -> memref<1x80x125xi32, #tpu.memory_space<hbm>>
      %dma_wait3A_74 = tpu.memref_squeeze %dma_wait3A_73 : memref<1x80x125xi32, #tpu.memory_space<hbm>> -> memref<80x125xi32, #tpu.memory_space<hbm>>
      tpu.wait_dma2 semaphore(%run_scoped3A : memref<!tpu.dma_semaphore, #tpu.memory_space<semaphore_mem>>) src(%dma_wait3A_74 : memref<80x125xi32, #tpu.memory_space<hbm>>) dst(%arg5 : memref<80x125xi32, #tpu.memory_space<vmem>>)
      tpu.yield
    }) : () -> ()
    %barrier3A = arith.constant 0 : index
    tpu.barrier barrier_id(%barrier3A)
    %scan3A = arith.constant 0 : i32
    %scan3A_49 = arith.constant 0 : i32
    %scan3A_50 = arith.constant 80 : i32
    %scan3A_51 = arith.addi %scan3A_49, %scan3A_50 : i32
    %scan3A_52 = arith.constant 1 : i32
    scf.for %scan3A_61 = %scan3A_49 to %scan3A_51 step %scan3A_52  : i32 {
      %dma_start3A = arith.constant 0 : i32
      %dma_start3A_62 = tpu.memref_slice %arg6[%dma_start3A] : memref<128xf32, #tpu.memory_space<vmem>> -> memref<125xf32, #tpu.memory_space<vmem>>
      %dma_start3A_63 = arith.constant 0 : i32
      %dma_start3A_64 = tpu.memref_slice %arg5[%scan3A_61, %dma_start3A_63] : memref<80x125xi32, #tpu.memory_space<vmem>> -> memref<1x125xi32, #tpu.memory_space<vmem>>
      %dma_start3A_65 = tpu.memref_squeeze %dma_start3A_64 : memref<1x125xi32, #tpu.memory_space<vmem>> -> memref<125xi32, #tpu.memory_space<vmem>>
      %dma_start3A_66 = arith.constant 0 : i32
      %dma_start3A_67 = tpu.memref_slice %arg7[%dma_start3A_66] : memref<10000xf32, #tpu.memory_space<vmem_shared>> -> memref<10000xf32, #tpu.memory_space<vmem_shared>>
      tpu.enqueue_indirect_dma source(%dma_start3A_62 : memref<125xf32, #tpu.memory_space<vmem>>) target(%dma_start3A_67 : memref<10000xf32, #tpu.memory_space<vmem_shared>>) offsets(%dma_start3A_65 : memref<125xi32, #tpu.memory_space<vmem>>) semaphore(%arg8 : memref<!tpu.dma_semaphore, #tpu.memory_space<semaphore_mem>>) {add = true}
    }
    %scan3A_53 = arith.constant 80 : i32
    %scan3A_54 = arith.constant 0 : i32
    %scan3A_55 = arith.constant 0 : i32
    %scan3A_56 = arith.constant 80 : i32
    %scan3A_57 = arith.addi %scan3A_55, %scan3A_56 : i32
    %scan3A_58 = arith.constant 1 : i32
    scf.for %scan3A_61 = %scan3A_55 to %scan3A_57 step %scan3A_58  : i32 {
      %dma_wait3A = arith.constant 0 : i32
      %dma_wait3A_62 = tpu.memref_slice %arg6[%dma_wait3A] : memref<128xf32, #tpu.memory_space<vmem>> -> memref<125xf32, #tpu.memory_space<vmem>>
      %dma_wait3A_63 = arith.constant 0 : i32
      %dma_wait3A_64 = tpu.memref_slice %arg7[%dma_wait3A_63] : memref<10000xf32, #tpu.memory_space<vmem_shared>> -> memref<125xf32, #tpu.memory_space<vmem_shared>>
      %dma_wait3A_65 = arith.constant 0 : i32
      %dma_wait3A_66 = tpu.memref_slice %arg7[%dma_wait3A_65] : memref<10000xf32, #tpu.memory_space<vmem_shared>> -> memref<125xf32, #tpu.memory_space<vmem_shared>>
      %dma_wait3A_67 = arith.constant 0 : i32
      %dma_wait3A_68 = tpu.memref_slice %arg6[%dma_wait3A_67] : memref<128xf32, #tpu.memory_space<vmem>> -> memref<125xf32, #tpu.memory_space<vmem>>
      tpu.wait_dma2 semaphore(%arg8 : memref<!tpu.dma_semaphore, #tpu.memory_space<semaphore_mem>>) src(%dma_wait3A_68 : memref<125xf32, #tpu.memory_space<vmem>>) dst(%dma_wait3A_66 : memref<125xf32, #tpu.memory_space<vmem_shared>>)
    }
    %scan3A_59 = arith.constant 80 : i32
    %barrier3A_60 = arith.constant 0 : index
    tpu.barrier barrier_id(%barrier3A_60)
    "tpu.region"() ({
      %run_scoped3A = tpu.sem_alloc : memref<!tpu.dma_semaphore, #tpu.memory_space<semaphore_mem>>
      %dma_start3A = tpu.memref_slice %arg4[%arg0, %mul3A_48] : memref<2x10000xf32, #tpu.memory_space<hbm>> -> memref<1x640xf32, #tpu.memory_space<hbm>>
      %dma_start3A_61 = tpu.memref_squeeze %dma_start3A : memref<1x640xf32, #tpu.memory_space<hbm>> -> memref<640xf32, #tpu.memory_space<hbm>>
      %dma_start3A_62 = tpu.memref_slice %arg7[%mul3A_48] : memref<10000xf32, #tpu.memory_space<vmem_shared>> -> memref<640xf32, #tpu.memory_space<vmem_shared>>
      tpu.enqueue_dma source(%dma_start3A_62 : memref<640xf32, #tpu.memory_space<vmem_shared>>) target(%dma_start3A_61 : memref<640xf32, #tpu.memory_space<hbm>>) target_semaphore(%run_scoped3A : memref<!tpu.dma_semaphore, #tpu.memory_space<semaphore_mem>>)
      %dma_wait3A = tpu.memref_slice %arg4[%arg0, %mul3A_48] : memref<2x10000xf32, #tpu.memory_space<hbm>> -> memref<1x640xf32, #tpu.memory_space<hbm>>
      %dma_wait3A_63 = tpu.memref_squeeze %dma_wait3A : memref<1x640xf32, #tpu.memory_space<hbm>> -> memref<640xf32, #tpu.memory_space<hbm>>
      %dma_wait3A_64 = tpu.memref_slice %arg7[%mul3A_48] : memref<10000xf32, #tpu.memory_space<vmem_shared>> -> memref<640xf32, #tpu.memory_space<vmem_shared>>
      tpu.wait_dma2 semaphore(%run_scoped3A : memref<!tpu.dma_semaphore, #tpu.memory_space<semaphore_mem>>) src(%dma_wait3A_64 : memref<640xf32, #tpu.memory_space<vmem_shared>>) dst(%dma_wait3A_63 : memref<640xf32, #tpu.memory_space<hbm>>)
      tpu.yield
    }) : () -> ()
    return
  }
}

#map = affine_map<(d0, d1) -> (0, 0)>
#map1 = affine_map<(d0, d1) -> (0, 0, 0)>
module attributes {stable_mosaic.version = 14 : i64} {
  func.func @_seg_body(%arg0: i32, %arg1: i32, %arg2: memref<10000x128xf32, #tpu.memory_space<hbm>>, %arg3: memref<32x200x50xi32, #tpu.memory_space<hbm>>, %arg4: memref<32x200x50xi32, #tpu.memory_space<hbm>>, %arg5: memref<10000x128xf32, #tpu.memory_space<hbm>>, %arg6: memref<2x10000x128xf32, #tpu.memory_space<hbm>>, %arg7: memref<200x50xi32, #tpu.memory_space<vmem>>, %arg8: memref<200x50xi32, #tpu.memory_space<vmem>>, %arg9: memref<10000x128xf32, #tpu.memory_space<vmem_shared>>, %arg10: memref<50x128xf32, #tpu.memory_space<vmem>>, %arg11: memref<50x128xf32, #tpu.memory_space<vmem>>, %arg12: memref<50x128xf32, #tpu.memory_space<vmem>>, %arg13: memref<50x128xf32, #tpu.memory_space<vmem>>, %arg14: memref<!tpu.dma_semaphore, #tpu.memory_space<semaphore_mem>>, %arg15: memref<!tpu.dma_semaphore, #tpu.memory_space<semaphore_mem>>, %arg16: memref<!tpu.dma_semaphore, #tpu.memory_space<semaphore_mem>>, %arg17: memref<!tpu.dma_semaphore, #tpu.memory_space<semaphore_mem>>, %arg18: memref<!tpu.dma_semaphore, #tpu.memory_space<semaphore_mem>>, %arg19: memref<!tpu.dma_semaphore, #tpu.memory_space<semaphore_mem>>, %arg20: memref<!tpu.dma_semaphore, #tpu.memory_space<semaphore_mem>>, %arg21: memref<!tpu.dma_semaphore, #tpu.memory_space<semaphore_mem>>) attributes {dimension_semantics = [#tpu.dimension_semantics<core_parallel>, #tpu.dimension_semantics<subcore_parallel>], iteration_bounds = array<i64: 2, 16>, scalar_prefetch = 0 : i64, scratch_operands = 15 : i64, tpu.core_type = #tpu.core_type<sc_vector_subcore>, window_params = [{transform_indices = #map}, {transform_indices = #map1}, {transform_indices = #map1}, {transform_indices = #map}, {transform_indices = #map1}]} {
    %mul3A = arith.constant 16 : i32
    %mul3A_0 = arith.muli %arg0, %mul3A : i32
    %add3A = arith.addi %mul3A_0, %arg1 : i32
    %mul3A_1 = arith.constant 625 : i32
    %mul3A_2 = arith.muli %arg1, %mul3A_1 : i32
    %scan3A = arith.constant 0 : i32
    %scan3A_3 = arith.constant 0 : i32
    %scan3A_4 = arith.constant 5 : i32
    %scan3A_5 = arith.addi %scan3A_3, %scan3A_4 : i32
    %scan3A_6 = arith.constant 1 : i32
    scf.for %scan3A_60 = %scan3A_3 to %scan3A_5 step %scan3A_6  : i32 {
      %mul3A_61 = arith.constant 125 : i32
      %mul3A_62 = arith.muli %scan3A_60, %mul3A_61 : i32
      %add3A_63 = arith.addi %mul3A_2, %mul3A_62 : i32
      %mul3A_64 = arith.constant 125 : i32
      %mul3A_65 = arith.muli %scan3A_60, %mul3A_64 : i32
      %add3A_66 = arith.addi %mul3A_2, %mul3A_65 : i32
      %dma_start3A_67 = arith.constant 0 : i32
      %dma_start3A_68 = tpu.memref_slice %arg9[%add3A_66, %dma_start3A_67] : memref<10000x128xf32, #tpu.memory_space<vmem_shared>> -> memref<125x128xf32, #tpu.memory_space<vmem_shared>>
      %dma_start3A_69 = arith.constant 0 : i32
      %dma_start3A_70 = tpu.memref_slice %arg5[%add3A_63, %dma_start3A_69] : memref<10000x128xf32, #tpu.memory_space<hbm>> -> memref<125x128xf32, #tpu.memory_space<hbm>>
      tpu.enqueue_dma source(%dma_start3A_70 : memref<125x128xf32, #tpu.memory_space<hbm>>) target(%dma_start3A_68 : memref<125x128xf32, #tpu.memory_space<vmem_shared>>) target_semaphore(%arg14 : memref<!tpu.dma_semaphore, #tpu.memory_space<semaphore_mem>>)
    }
    %scan3A_7 = arith.constant 5 : i32
    %scan3A_8 = arith.constant 0 : i32
    %scan3A_9 = arith.constant 0 : i32
    %scan3A_10 = arith.constant 5 : i32
    %scan3A_11 = arith.addi %scan3A_9, %scan3A_10 : i32
    %scan3A_12 = arith.constant 1 : i32
    scf.for %scan3A_60 = %scan3A_9 to %scan3A_11 step %scan3A_12  : i32 {
      %dma_wait3A = arith.constant 0 : i32
      %dma_wait3A_61 = arith.constant 0 : i32
      %dma_wait3A_62 = tpu.memref_slice %arg9[%dma_wait3A, %dma_wait3A_61] : memref<10000x128xf32, #tpu.memory_space<vmem_shared>> -> memref<125x128xf32, #tpu.memory_space<vmem_shared>>
      %dma_wait3A_63 = arith.constant 0 : i32
      %dma_wait3A_64 = arith.constant 0 : i32
      %dma_wait3A_65 = tpu.memref_slice %arg5[%dma_wait3A_63, %dma_wait3A_64] : memref<10000x128xf32, #tpu.memory_space<hbm>> -> memref<125x128xf32, #tpu.memory_space<hbm>>
      tpu.wait_dma2 semaphore(%arg14 : memref<!tpu.dma_semaphore, #tpu.memory_space<semaphore_mem>>) src(%dma_wait3A_65 : memref<125x128xf32, #tpu.memory_space<hbm>>) dst(%dma_wait3A_62 : memref<125x128xf32, #tpu.memory_space<vmem_shared>>)
    }
    %scan3A_13 = arith.constant 5 : i32
    "tpu.region"() ({
      %run_scoped3A = tpu.sem_alloc : memref<!tpu.dma_semaphore, #tpu.memory_space<semaphore_mem>>
      %dma_start3A_60 = arith.constant 0 : i32
      %dma_start3A_61 = arith.constant 0 : i32
      %dma_start3A_62 = tpu.memref_slice %arg3[%add3A, %dma_start3A_60, %dma_start3A_61] : memref<32x200x50xi32, #tpu.memory_space<hbm>> -> memref<1x200x50xi32, #tpu.memory_space<hbm>>
      %dma_start3A_63 = tpu.memref_squeeze %dma_start3A_62 : memref<1x200x50xi32, #tpu.memory_space<hbm>> -> memref<200x50xi32, #tpu.memory_space<hbm>>
      %dma_start3A_64 = arith.constant 0 : i32
      %dma_start3A_65 = arith.constant 0 : i32
      %dma_start3A_66 = tpu.memref_slice %arg3[%add3A, %dma_start3A_64, %dma_start3A_65] : memref<32x200x50xi32, #tpu.memory_space<hbm>> -> memref<1x200x50xi32, #tpu.memory_space<hbm>>
      %dma_start3A_67 = tpu.memref_squeeze %dma_start3A_66 : memref<1x200x50xi32, #tpu.memory_space<hbm>> -> memref<200x50xi32, #tpu.memory_space<hbm>>
      tpu.enqueue_dma source(%dma_start3A_67 : memref<200x50xi32, #tpu.memory_space<hbm>>) target(%arg7 : memref<200x50xi32, #tpu.memory_space<vmem>>) target_semaphore(%run_scoped3A : memref<!tpu.dma_semaphore, #tpu.memory_space<semaphore_mem>>)
      %dma_wait3A = arith.constant 0 : i32
      %dma_wait3A_68 = arith.constant 0 : i32
      %dma_wait3A_69 = tpu.memref_slice %arg3[%add3A, %dma_wait3A, %dma_wait3A_68] : memref<32x200x50xi32, #tpu.memory_space<hbm>> -> memref<1x200x50xi32, #tpu.memory_space<hbm>>
      %dma_wait3A_70 = tpu.memref_squeeze %dma_wait3A_69 : memref<1x200x50xi32, #tpu.memory_space<hbm>> -> memref<200x50xi32, #tpu.memory_space<hbm>>
      %dma_wait3A_71 = arith.constant 0 : i32
      %dma_wait3A_72 = arith.constant 0 : i32
      %dma_wait3A_73 = tpu.memref_slice %arg3[%add3A, %dma_wait3A_71, %dma_wait3A_72] : memref<32x200x50xi32, #tpu.memory_space<hbm>> -> memref<1x200x50xi32, #tpu.memory_space<hbm>>
      %dma_wait3A_74 = tpu.memref_squeeze %dma_wait3A_73 : memref<1x200x50xi32, #tpu.memory_space<hbm>> -> memref<200x50xi32, #tpu.memory_space<hbm>>
      tpu.wait_dma2 semaphore(%run_scoped3A : memref<!tpu.dma_semaphore, #tpu.memory_space<semaphore_mem>>) src(%dma_wait3A_74 : memref<200x50xi32, #tpu.memory_space<hbm>>) dst(%arg7 : memref<200x50xi32, #tpu.memory_space<vmem>>)
      tpu.yield
    }) : () -> ()
    "tpu.region"() ({
      %run_scoped3A = tpu.sem_alloc : memref<!tpu.dma_semaphore, #tpu.memory_space<semaphore_mem>>
      %dma_start3A_60 = arith.constant 0 : i32
      %dma_start3A_61 = arith.constant 0 : i32
      %dma_start3A_62 = tpu.memref_slice %arg4[%add3A, %dma_start3A_60, %dma_start3A_61] : memref<32x200x50xi32, #tpu.memory_space<hbm>> -> memref<1x200x50xi32, #tpu.memory_space<hbm>>
      %dma_start3A_63 = tpu.memref_squeeze %dma_start3A_62 : memref<1x200x50xi32, #tpu.memory_space<hbm>> -> memref<200x50xi32, #tpu.memory_space<hbm>>
      %dma_start3A_64 = arith.constant 0 : i32
      %dma_start3A_65 = arith.constant 0 : i32
      %dma_start3A_66 = tpu.memref_slice %arg4[%add3A, %dma_start3A_64, %dma_start3A_65] : memref<32x200x50xi32, #tpu.memory_space<hbm>> -> memref<1x200x50xi32, #tpu.memory_space<hbm>>
      %dma_start3A_67 = tpu.memref_squeeze %dma_start3A_66 : memref<1x200x50xi32, #tpu.memory_space<hbm>> -> memref<200x50xi32, #tpu.memory_space<hbm>>
      tpu.enqueue_dma source(%dma_start3A_67 : memref<200x50xi32, #tpu.memory_space<hbm>>) target(%arg8 : memref<200x50xi32, #tpu.memory_space<vmem>>) target_semaphore(%run_scoped3A : memref<!tpu.dma_semaphore, #tpu.memory_space<semaphore_mem>>)
      %dma_wait3A = arith.constant 0 : i32
      %dma_wait3A_68 = arith.constant 0 : i32
      %dma_wait3A_69 = tpu.memref_slice %arg4[%add3A, %dma_wait3A, %dma_wait3A_68] : memref<32x200x50xi32, #tpu.memory_space<hbm>> -> memref<1x200x50xi32, #tpu.memory_space<hbm>>
      %dma_wait3A_70 = tpu.memref_squeeze %dma_wait3A_69 : memref<1x200x50xi32, #tpu.memory_space<hbm>> -> memref<200x50xi32, #tpu.memory_space<hbm>>
      %dma_wait3A_71 = arith.constant 0 : i32
      %dma_wait3A_72 = arith.constant 0 : i32
      %dma_wait3A_73 = tpu.memref_slice %arg4[%add3A, %dma_wait3A_71, %dma_wait3A_72] : memref<32x200x50xi32, #tpu.memory_space<hbm>> -> memref<1x200x50xi32, #tpu.memory_space<hbm>>
      %dma_wait3A_74 = tpu.memref_squeeze %dma_wait3A_73 : memref<1x200x50xi32, #tpu.memory_space<hbm>> -> memref<200x50xi32, #tpu.memory_space<hbm>>
      tpu.wait_dma2 semaphore(%run_scoped3A : memref<!tpu.dma_semaphore, #tpu.memory_space<semaphore_mem>>) src(%dma_wait3A_74 : memref<200x50xi32, #tpu.memory_space<hbm>>) dst(%arg8 : memref<200x50xi32, #tpu.memory_space<vmem>>)
      tpu.yield
    }) : () -> ()
    %barrier3A = arith.constant 0 : index
    tpu.barrier barrier_id(%barrier3A)
    %dma_start3A = arith.constant 0 : i32
    %dma_start3A_14 = arith.constant 0 : i32
    %dma_start3A_15 = tpu.memref_slice %arg7[%dma_start3A, %dma_start3A_14] : memref<200x50xi32, #tpu.memory_space<vmem>> -> memref<1x50xi32, #tpu.memory_space<vmem>>
    %dma_start3A_16 = tpu.memref_squeeze %dma_start3A_15 : memref<1x50xi32, #tpu.memory_space<vmem>> -> memref<50xi32, #tpu.memory_space<vmem>>
    %dma_start3A_17 = arith.constant 0 : i32
    %dma_start3A_18 = arith.constant 0 : i32
    %dma_start3A_19 = tpu.memref_slice %arg2[%dma_start3A_17, %dma_start3A_18] : memref<10000x128xf32, #tpu.memory_space<hbm>> -> memref<10000x128xf32, #tpu.memory_space<hbm>>
    tpu.enqueue_indirect_dma source(%dma_start3A_19 : memref<10000x128xf32, #tpu.memory_space<hbm>>) target(%arg10 : memref<50x128xf32, #tpu.memory_space<vmem>>) offsets(%dma_start3A_16 : memref<50xi32, #tpu.memory_space<vmem>>) semaphore(%arg14 : memref<!tpu.dma_semaphore, #tpu.memory_space<semaphore_mem>>)
    %dma_start3A_20 = arith.constant 1 : i32
    %dma_start3A_21 = arith.constant 0 : i32
    %dma_start3A_22 = tpu.memref_slice %arg7[%dma_start3A_20, %dma_start3A_21] : memref<200x50xi32, #tpu.memory_space<vmem>> -> memref<1x50xi32, #tpu.memory_space<vmem>>
    %dma_start3A_23 = tpu.memref_squeeze %dma_start3A_22 : memref<1x50xi32, #tpu.memory_space<vmem>> -> memref<50xi32, #tpu.memory_space<vmem>>
    %dma_start3A_24 = arith.constant 0 : i32
    %dma_start3A_25 = arith.constant 0 : i32
    %dma_start3A_26 = tpu.memref_slice %arg2[%dma_start3A_24, %dma_start3A_25] : memref<10000x128xf32, #tpu.memory_space<hbm>> -> memref<10000x128xf32, #tpu.memory_space<hbm>>
    tpu.enqueue_indirect_dma source(%dma_start3A_26 : memref<10000x128xf32, #tpu.memory_space<hbm>>) target(%arg11 : memref<50x128xf32, #tpu.memory_space<vmem>>) offsets(%dma_start3A_23 : memref<50xi32, #tpu.memory_space<vmem>>) semaphore(%arg15 : memref<!tpu.dma_semaphore, #tpu.memory_space<semaphore_mem>>)
    %dma_start3A_27 = arith.constant 2 : i32
    %dma_start3A_28 = arith.constant 0 : i32
    %dma_start3A_29 = tpu.memref_slice %arg7[%dma_start3A_27, %dma_start3A_28] : memref<200x50xi32, #tpu.memory_space<vmem>> -> memref<1x50xi32, #tpu.memory_space<vmem>>
    %dma_start3A_30 = tpu.memref_squeeze %dma_start3A_29 : memref<1x50xi32, #tpu.memory_space<vmem>> -> memref<50xi32, #tpu.memory_space<vmem>>
    %dma_start3A_31 = arith.constant 0 : i32
    %dma_start3A_32 = arith.constant 0 : i32
    %dma_start3A_33 = tpu.memref_slice %arg2[%dma_start3A_31, %dma_start3A_32] : memref<10000x128xf32, #tpu.memory_space<hbm>> -> memref<10000x128xf32, #tpu.memory_space<hbm>>
    tpu.enqueue_indirect_dma source(%dma_start3A_33 : memref<10000x128xf32, #tpu.memory_space<hbm>>) target(%arg12 : memref<50x128xf32, #tpu.memory_space<vmem>>) offsets(%dma_start3A_30 : memref<50xi32, #tpu.memory_space<vmem>>) semaphore(%arg16 : memref<!tpu.dma_semaphore, #tpu.memory_space<semaphore_mem>>)
    %dma_start3A_34 = arith.constant 3 : i32
    %dma_start3A_35 = arith.constant 0 : i32
    %dma_start3A_36 = tpu.memref_slice %arg7[%dma_start3A_34, %dma_start3A_35] : memref<200x50xi32, #tpu.memory_space<vmem>> -> memref<1x50xi32, #tpu.memory_space<vmem>>
    %dma_start3A_37 = tpu.memref_squeeze %dma_start3A_36 : memref<1x50xi32, #tpu.memory_space<vmem>> -> memref<50xi32, #tpu.memory_space<vmem>>
    %dma_start3A_38 = arith.constant 0 : i32
    %dma_start3A_39 = arith.constant 0 : i32
    %dma_start3A_40 = tpu.memref_slice %arg2[%dma_start3A_38, %dma_start3A_39] : memref<10000x128xf32, #tpu.memory_space<hbm>> -> memref<10000x128xf32, #tpu.memory_space<hbm>>
    tpu.enqueue_indirect_dma source(%dma_start3A_40 : memref<10000x128xf32, #tpu.memory_space<hbm>>) target(%arg13 : memref<50x128xf32, #tpu.memory_space<vmem>>) offsets(%dma_start3A_37 : memref<50xi32, #tpu.memory_space<vmem>>) semaphore(%arg17 : memref<!tpu.dma_semaphore, #tpu.memory_space<semaphore_mem>>)
    %scan3A_41 = arith.constant 0 : i32
    %scan3A_42 = arith.constant 0 : i32
    %scan3A_43 = arith.constant 50 : i32
    %scan3A_44 = arith.addi %scan3A_42, %scan3A_43 : i32
    %scan3A_45 = arith.constant 1 : i32
    scf.for %scan3A_60 = %scan3A_42 to %scan3A_44 step %scan3A_45  : i32 {
      %mul3A_61 = arith.constant 4 : i32
      %mul3A_62 = arith.muli %scan3A_60, %mul3A_61 : i32
      %add3A_63 = arith.constant 0 : i32
      %add3A_64 = arith.addi %mul3A_62, %add3A_63 : i32
      %dma_wait3A = arith.constant 0 : i32
      %dma_wait3A_65 = arith.constant 0 : i32
      %dma_wait3A_66 = tpu.memref_slice %arg2[%dma_wait3A, %dma_wait3A_65] : memref<10000x128xf32, #tpu.memory_space<hbm>> -> memref<50x128xf32, #tpu.memory_space<hbm>>
      %dma_wait3A_67 = arith.constant 0 : i32
      %dma_wait3A_68 = arith.constant 0 : i32
      %dma_wait3A_69 = tpu.memref_slice %arg2[%dma_wait3A_67, %dma_wait3A_68] : memref<10000x128xf32, #tpu.memory_space<hbm>> -> memref<50x128xf32, #tpu.memory_space<hbm>>
      tpu.wait_dma2 semaphore(%arg14 : memref<!tpu.dma_semaphore, #tpu.memory_space<semaphore_mem>>) src(%dma_wait3A_69 : memref<50x128xf32, #tpu.memory_space<hbm>>) dst(%arg10 : memref<50x128xf32, #tpu.memory_space<vmem>>)
      %dma_start3A_70 = arith.constant 0 : i32
      %dma_start3A_71 = tpu.memref_slice %arg8[%add3A_64, %dma_start3A_70] : memref<200x50xi32, #tpu.memory_space<vmem>> -> memref<1x50xi32, #tpu.memory_space<vmem>>
      %dma_start3A_72 = tpu.memref_squeeze %dma_start3A_71 : memref<1x50xi32, #tpu.memory_space<vmem>> -> memref<50xi32, #tpu.memory_space<vmem>>
      %dma_start3A_73 = arith.constant 0 : i32
      %dma_start3A_74 = arith.constant 0 : i32
      %dma_start3A_75 = tpu.memref_slice %arg9[%dma_start3A_73, %dma_start3A_74] : memref<10000x128xf32, #tpu.memory_space<vmem_shared>> -> memref<10000x128xf32, #tpu.memory_space<vmem_shared>>
      tpu.enqueue_indirect_dma source(%arg10 : memref<50x128xf32, #tpu.memory_space<vmem>>) target(%dma_start3A_75 : memref<10000x128xf32, #tpu.memory_space<vmem_shared>>) offsets(%dma_start3A_72 : memref<50xi32, #tpu.memory_space<vmem>>) semaphore(%arg18 : memref<!tpu.dma_semaphore, #tpu.memory_space<semaphore_mem>>) {add = true}
      %dma_wait3A_76 = arith.constant 0 : i32
      %dma_wait3A_77 = arith.constant 0 : i32
      %dma_wait3A_78 = tpu.memref_slice %arg9[%dma_wait3A_76, %dma_wait3A_77] : memref<10000x128xf32, #tpu.memory_space<vmem_shared>> -> memref<50x128xf32, #tpu.memory_space<vmem_shared>>
      %dma_wait3A_79 = arith.constant 0 : i32
      %dma_wait3A_80 = arith.constant 0 : i32
      %dma_wait3A_81 = tpu.memref_slice %arg9[%dma_wait3A_79, %dma_wait3A_80] : memref<10000x128xf32, #tpu.memory_space<vmem_shared>> -> memref<50x128xf32, #tpu.memory_space<vmem_shared>>
      tpu.wait_dma2 semaphore(%arg18 : memref<!tpu.dma_semaphore, #tpu.memory_space<semaphore_mem>>) src(%arg10 : memref<50x128xf32, #tpu.memory_space<vmem>>) dst(%dma_wait3A_81 : memref<50x128xf32, #tpu.memory_space<vmem_shared>>)
      %add3A_82 = arith.constant 4 : i32
      %add3A_83 = arith.addi %add3A_64, %add3A_82 : i32
      %lt3A = arith.constant 200 : i32
      %lt3A_84 = arith.cmpi slt, %add3A_83, %lt3A : i32
      %convert_element_type3A = arith.extui %lt3A_84 : i1 to i32
      %cond3A = arith.constant 0 : i32
      %cond3A_85 = arith.cmpi ne, %convert_element_type3A, %cond3A : i32
      scf.if %cond3A_85 {
        %add3A_173 = arith.constant 4 : i32
        %add3A_174 = arith.addi %add3A_64, %add3A_173 : i32
        %dma_start3A_175 = arith.constant 0 : i32
        %dma_start3A_176 = tpu.memref_slice %arg7[%add3A_174, %dma_start3A_175] : memref<200x50xi32, #tpu.memory_space<vmem>> -> memref<1x50xi32, #tpu.memory_space<vmem>>
        %dma_start3A_177 = tpu.memref_squeeze %dma_start3A_176 : memref<1x50xi32, #tpu.memory_space<vmem>> -> memref<50xi32, #tpu.memory_space<vmem>>
        %dma_start3A_178 = arith.constant 0 : i32
        %dma_start3A_179 = arith.constant 0 : i32
        %dma_start3A_180 = tpu.memref_slice %arg2[%dma_start3A_178, %dma_start3A_179] : memref<10000x128xf32, #tpu.memory_space<hbm>> -> memref<10000x128xf32, #tpu.memory_space<hbm>>
        tpu.enqueue_indirect_dma source(%dma_start3A_180 : memref<10000x128xf32, #tpu.memory_space<hbm>>) target(%arg10 : memref<50x128xf32, #tpu.memory_space<vmem>>) offsets(%dma_start3A_177 : memref<50xi32, #tpu.memory_space<vmem>>) semaphore(%arg14 : memref<!tpu.dma_semaphore, #tpu.memory_space<semaphore_mem>>)
      } else {
      }
      %mul3A_86 = arith.constant 4 : i32
      %mul3A_87 = arith.muli %scan3A_60, %mul3A_86 : i32
      %add3A_88 = arith.constant 1 : i32
      %add3A_89 = arith.addi %mul3A_87, %add3A_88 : i32
      %dma_wait3A_90 = arith.constant 0 : i32
      %dma_wait3A_91 = arith.constant 0 : i32
      %dma_wait3A_92 = tpu.memref_slice %arg2[%dma_wait3A_90, %dma_wait3A_91] : memref<10000x128xf32, #tpu.memory_space<hbm>> -> memref<50x128xf32, #tpu.memory_space<hbm>>
      %dma_wait3A_93 = arith.constant 0 : i32
      %dma_wait3A_94 = arith.constant 0 : i32
      %dma_wait3A_95 = tpu.memref_slice %arg2[%dma_wait3A_93, %dma_wait3A_94] : memref<10000x128xf32, #tpu.memory_space<hbm>> -> memref<50x128xf32, #tpu.memory_space<hbm>>
      tpu.wait_dma2 semaphore(%arg15 : memref<!tpu.dma_semaphore, #tpu.memory_space<semaphore_mem>>) src(%dma_wait3A_95 : memref<50x128xf32, #tpu.memory_space<hbm>>) dst(%arg11 : memref<50x128xf32, #tpu.memory_space<vmem>>)
      %dma_start3A_96 = arith.constant 0 : i32
      %dma_start3A_97 = tpu.memref_slice %arg8[%add3A_89, %dma_start3A_96] : memref<200x50xi32, #tpu.memory_space<vmem>> -> memref<1x50xi32, #tpu.memory_space<vmem>>
      %dma_start3A_98 = tpu.memref_squeeze %dma_start3A_97 : memref<1x50xi32, #tpu.memory_space<vmem>> -> memref<50xi32, #tpu.memory_space<vmem>>
      %dma_start3A_99 = arith.constant 0 : i32
      %dma_start3A_100 = arith.constant 0 : i32
      %dma_start3A_101 = tpu.memref_slice %arg9[%dma_start3A_99, %dma_start3A_100] : memref<10000x128xf32, #tpu.memory_space<vmem_shared>> -> memref<10000x128xf32, #tpu.memory_space<vmem_shared>>
      tpu.enqueue_indirect_dma source(%arg11 : memref<50x128xf32, #tpu.memory_space<vmem>>) target(%dma_start3A_101 : memref<10000x128xf32, #tpu.memory_space<vmem_shared>>) offsets(%dma_start3A_98 : memref<50xi32, #tpu.memory_space<vmem>>) semaphore(%arg19 : memref<!tpu.dma_semaphore, #tpu.memory_space<semaphore_mem>>) {add = true}
      %dma_wait3A_102 = arith.constant 0 : i32
      %dma_wait3A_103 = arith.constant 0 : i32
      %dma_wait3A_104 = tpu.memref_slice %arg9[%dma_wait3A_102, %dma_wait3A_103] : memref<10000x128xf32, #tpu.memory_space<vmem_shared>> -> memref<50x128xf32, #tpu.memory_space<vmem_shared>>
      %dma_wait3A_105 = arith.constant 0 : i32
      %dma_wait3A_106 = arith.constant 0 : i32
      %dma_wait3A_107 = tpu.memref_slice %arg9[%dma_wait3A_105, %dma_wait3A_106] : memref<10000x128xf32, #tpu.memory_space<vmem_shared>> -> memref<50x128xf32, #tpu.memory_space<vmem_shared>>
      tpu.wait_dma2 semaphore(%arg19 : memref<!tpu.dma_semaphore, #tpu.memory_space<semaphore_mem>>) src(%arg11 : memref<50x128xf32, #tpu.memory_space<vmem>>) dst(%dma_wait3A_107 : memref<50x128xf32, #tpu.memory_space<vmem_shared>>)
      %add3A_108 = arith.constant 4 : i32
      %add3A_109 = arith.addi %add3A_89, %add3A_108 : i32
      %lt3A_110 = arith.constant 200 : i32
      %lt3A_111 = arith.cmpi slt, %add3A_109, %lt3A_110 : i32
      %convert_element_type3A_112 = arith.extui %lt3A_111 : i1 to i32
      %cond3A_113 = arith.constant 0 : i32
      %cond3A_114 = arith.cmpi ne, %convert_element_type3A_112, %cond3A_113 : i32
      scf.if %cond3A_114 {
        %add3A_173 = arith.constant 4 : i32
        %add3A_174 = arith.addi %add3A_89, %add3A_173 : i32
        %dma_start3A_175 = arith.constant 0 : i32
        %dma_start3A_176 = tpu.memref_slice %arg7[%add3A_174, %dma_start3A_175] : memref<200x50xi32, #tpu.memory_space<vmem>> -> memref<1x50xi32, #tpu.memory_space<vmem>>
        %dma_start3A_177 = tpu.memref_squeeze %dma_start3A_176 : memref<1x50xi32, #tpu.memory_space<vmem>> -> memref<50xi32, #tpu.memory_space<vmem>>
        %dma_start3A_178 = arith.constant 0 : i32
        %dma_start3A_179 = arith.constant 0 : i32
        %dma_start3A_180 = tpu.memref_slice %arg2[%dma_start3A_178, %dma_start3A_179] : memref<10000x128xf32, #tpu.memory_space<hbm>> -> memref<10000x128xf32, #tpu.memory_space<hbm>>
        tpu.enqueue_indirect_dma source(%dma_start3A_180 : memref<10000x128xf32, #tpu.memory_space<hbm>>) target(%arg11 : memref<50x128xf32, #tpu.memory_space<vmem>>) offsets(%dma_start3A_177 : memref<50xi32, #tpu.memory_space<vmem>>) semaphore(%arg15 : memref<!tpu.dma_semaphore, #tpu.memory_space<semaphore_mem>>)
      } else {
      }
      %mul3A_115 = arith.constant 4 : i32
      %mul3A_116 = arith.muli %scan3A_60, %mul3A_115 : i32
      %add3A_117 = arith.constant 2 : i32
      %add3A_118 = arith.addi %mul3A_116, %add3A_117 : i32
      %dma_wait3A_119 = arith.constant 0 : i32
      %dma_wait3A_120 = arith.constant 0 : i32
      %dma_wait3A_121 = tpu.memref_slice %arg2[%dma_wait3A_119, %dma_wait3A_120] : memref<10000x128xf32, #tpu.memory_space<hbm>> -> memref<50x128xf32, #tpu.memory_space<hbm>>
      %dma_wait3A_122 = arith.constant 0 : i32
      %dma_wait3A_123 = arith.constant 0 : i32
      %dma_wait3A_124 = tpu.memref_slice %arg2[%dma_wait3A_122, %dma_wait3A_123] : memref<10000x128xf32, #tpu.memory_space<hbm>> -> memref<50x128xf32, #tpu.memory_space<hbm>>
      tpu.wait_dma2 semaphore(%arg16 : memref<!tpu.dma_semaphore, #tpu.memory_space<semaphore_mem>>) src(%dma_wait3A_124 : memref<50x128xf32, #tpu.memory_space<hbm>>) dst(%arg12 : memref<50x128xf32, #tpu.memory_space<vmem>>)
      %dma_start3A_125 = arith.constant 0 : i32
      %dma_start3A_126 = tpu.memref_slice %arg8[%add3A_118, %dma_start3A_125] : memref<200x50xi32, #tpu.memory_space<vmem>> -> memref<1x50xi32, #tpu.memory_space<vmem>>
      %dma_start3A_127 = tpu.memref_squeeze %dma_start3A_126 : memref<1x50xi32, #tpu.memory_space<vmem>> -> memref<50xi32, #tpu.memory_space<vmem>>
      %dma_start3A_128 = arith.constant 0 : i32
      %dma_start3A_129 = arith.constant 0 : i32
      %dma_start3A_130 = tpu.memref_slice %arg9[%dma_start3A_128, %dma_start3A_129] : memref<10000x128xf32, #tpu.memory_space<vmem_shared>> -> memref<10000x128xf32, #tpu.memory_space<vmem_shared>>
      tpu.enqueue_indirect_dma source(%arg12 : memref<50x128xf32, #tpu.memory_space<vmem>>) target(%dma_start3A_130 : memref<10000x128xf32, #tpu.memory_space<vmem_shared>>) offsets(%dma_start3A_127 : memref<50xi32, #tpu.memory_space<vmem>>) semaphore(%arg20 : memref<!tpu.dma_semaphore, #tpu.memory_space<semaphore_mem>>) {add = true}
      %dma_wait3A_131 = arith.constant 0 : i32
      %dma_wait3A_132 = arith.constant 0 : i32
      %dma_wait3A_133 = tpu.memref_slice %arg9[%dma_wait3A_131, %dma_wait3A_132] : memref<10000x128xf32, #tpu.memory_space<vmem_shared>> -> memref<50x128xf32, #tpu.memory_space<vmem_shared>>
      %dma_wait3A_134 = arith.constant 0 : i32
      %dma_wait3A_135 = arith.constant 0 : i32
      %dma_wait3A_136 = tpu.memref_slice %arg9[%dma_wait3A_134, %dma_wait3A_135] : memref<10000x128xf32, #tpu.memory_space<vmem_shared>> -> memref<50x128xf32, #tpu.memory_space<vmem_shared>>
      tpu.wait_dma2 semaphore(%arg20 : memref<!tpu.dma_semaphore, #tpu.memory_space<semaphore_mem>>) src(%arg12 : memref<50x128xf32, #tpu.memory_space<vmem>>) dst(%dma_wait3A_136 : memref<50x128xf32, #tpu.memory_space<vmem_shared>>)
      %add3A_137 = arith.constant 4 : i32
      %add3A_138 = arith.addi %add3A_118, %add3A_137 : i32
      %lt3A_139 = arith.constant 200 : i32
      %lt3A_140 = arith.cmpi slt, %add3A_138, %lt3A_139 : i32
      %convert_element_type3A_141 = arith.extui %lt3A_140 : i1 to i32
      %cond3A_142 = arith.constant 0 : i32
      %cond3A_143 = arith.cmpi ne, %convert_element_type3A_141, %cond3A_142 : i32
      scf.if %cond3A_143 {
        %add3A_173 = arith.constant 4 : i32
        %add3A_174 = arith.addi %add3A_118, %add3A_173 : i32
        %dma_start3A_175 = arith.constant 0 : i32
        %dma_start3A_176 = tpu.memref_slice %arg7[%add3A_174, %dma_start3A_175] : memref<200x50xi32, #tpu.memory_space<vmem>> -> memref<1x50xi32, #tpu.memory_space<vmem>>
        %dma_start3A_177 = tpu.memref_squeeze %dma_start3A_176 : memref<1x50xi32, #tpu.memory_space<vmem>> -> memref<50xi32, #tpu.memory_space<vmem>>
        %dma_start3A_178 = arith.constant 0 : i32
        %dma_start3A_179 = arith.constant 0 : i32
        %dma_start3A_180 = tpu.memref_slice %arg2[%dma_start3A_178, %dma_start3A_179] : memref<10000x128xf32, #tpu.memory_space<hbm>> -> memref<10000x128xf32, #tpu.memory_space<hbm>>
        tpu.enqueue_indirect_dma source(%dma_start3A_180 : memref<10000x128xf32, #tpu.memory_space<hbm>>) target(%arg12 : memref<50x128xf32, #tpu.memory_space<vmem>>) offsets(%dma_start3A_177 : memref<50xi32, #tpu.memory_space<vmem>>) semaphore(%arg16 : memref<!tpu.dma_semaphore, #tpu.memory_space<semaphore_mem>>)
      } else {
      }
      %mul3A_144 = arith.constant 4 : i32
      %mul3A_145 = arith.muli %scan3A_60, %mul3A_144 : i32
      %add3A_146 = arith.constant 3 : i32
      %add3A_147 = arith.addi %mul3A_145, %add3A_146 : i32
      %dma_wait3A_148 = arith.constant 0 : i32
      %dma_wait3A_149 = arith.constant 0 : i32
      %dma_wait3A_150 = tpu.memref_slice %arg2[%dma_wait3A_148, %dma_wait3A_149] : memref<10000x128xf32, #tpu.memory_space<hbm>> -> memref<50x128xf32, #tpu.memory_space<hbm>>
      %dma_wait3A_151 = arith.constant 0 : i32
      %dma_wait3A_152 = arith.constant 0 : i32
      %dma_wait3A_153 = tpu.memref_slice %arg2[%dma_wait3A_151, %dma_wait3A_152] : memref<10000x128xf32, #tpu.memory_space<hbm>> -> memref<50x128xf32, #tpu.memory_space<hbm>>
      tpu.wait_dma2 semaphore(%arg17 : memref<!tpu.dma_semaphore, #tpu.memory_space<semaphore_mem>>) src(%dma_wait3A_153 : memref<50x128xf32, #tpu.memory_space<hbm>>) dst(%arg13 : memref<50x128xf32, #tpu.memory_space<vmem>>)
      %dma_start3A_154 = arith.constant 0 : i32
      %dma_start3A_155 = tpu.memref_slice %arg8[%add3A_147, %dma_start3A_154] : memref<200x50xi32, #tpu.memory_space<vmem>> -> memref<1x50xi32, #tpu.memory_space<vmem>>
      %dma_start3A_156 = tpu.memref_squeeze %dma_start3A_155 : memref<1x50xi32, #tpu.memory_space<vmem>> -> memref<50xi32, #tpu.memory_space<vmem>>
      %dma_start3A_157 = arith.constant 0 : i32
      %dma_start3A_158 = arith.constant 0 : i32
      %dma_start3A_159 = tpu.memref_slice %arg9[%dma_start3A_157, %dma_start3A_158] : memref<10000x128xf32, #tpu.memory_space<vmem_shared>> -> memref<10000x128xf32, #tpu.memory_space<vmem_shared>>
      tpu.enqueue_indirect_dma source(%arg13 : memref<50x128xf32, #tpu.memory_space<vmem>>) target(%dma_start3A_159 : memref<10000x128xf32, #tpu.memory_space<vmem_shared>>) offsets(%dma_start3A_156 : memref<50xi32, #tpu.memory_space<vmem>>) semaphore(%arg21 : memref<!tpu.dma_semaphore, #tpu.memory_space<semaphore_mem>>) {add = true}
      %dma_wait3A_160 = arith.constant 0 : i32
      %dma_wait3A_161 = arith.constant 0 : i32
      %dma_wait3A_162 = tpu.memref_slice %arg9[%dma_wait3A_160, %dma_wait3A_161] : memref<10000x128xf32, #tpu.memory_space<vmem_shared>> -> memref<50x128xf32, #tpu.memory_space<vmem_shared>>
      %dma_wait3A_163 = arith.constant 0 : i32
      %dma_wait3A_164 = arith.constant 0 : i32
      %dma_wait3A_165 = tpu.memref_slice %arg9[%dma_wait3A_163, %dma_wait3A_164] : memref<10000x128xf32, #tpu.memory_space<vmem_shared>> -> memref<50x128xf32, #tpu.memory_space<vmem_shared>>
      tpu.wait_dma2 semaphore(%arg21 : memref<!tpu.dma_semaphore, #tpu.memory_space<semaphore_mem>>) src(%arg13 : memref<50x128xf32, #tpu.memory_space<vmem>>) dst(%dma_wait3A_165 : memref<50x128xf32, #tpu.memory_space<vmem_shared>>)
      %add3A_166 = arith.constant 4 : i32
      %add3A_167 = arith.addi %add3A_147, %add3A_166 : i32
      %lt3A_168 = arith.constant 200 : i32
      %lt3A_169 = arith.cmpi slt, %add3A_167, %lt3A_168 : i32
      %convert_element_type3A_170 = arith.extui %lt3A_169 : i1 to i32
      %cond3A_171 = arith.constant 0 : i32
      %cond3A_172 = arith.cmpi ne, %convert_element_type3A_170, %cond3A_171 : i32
      scf.if %cond3A_172 {
        %add3A_173 = arith.constant 4 : i32
        %add3A_174 = arith.addi %add3A_147, %add3A_173 : i32
        %dma_start3A_175 = arith.constant 0 : i32
        %dma_start3A_176 = tpu.memref_slice %arg7[%add3A_174, %dma_start3A_175] : memref<200x50xi32, #tpu.memory_space<vmem>> -> memref<1x50xi32, #tpu.memory_space<vmem>>
        %dma_start3A_177 = tpu.memref_squeeze %dma_start3A_176 : memref<1x50xi32, #tpu.memory_space<vmem>> -> memref<50xi32, #tpu.memory_space<vmem>>
        %dma_start3A_178 = arith.constant 0 : i32
        %dma_start3A_179 = arith.constant 0 : i32
        %dma_start3A_180 = tpu.memref_slice %arg2[%dma_start3A_178, %dma_start3A_179] : memref<10000x128xf32, #tpu.memory_space<hbm>> -> memref<10000x128xf32, #tpu.memory_space<hbm>>
        tpu.enqueue_indirect_dma source(%dma_start3A_180 : memref<10000x128xf32, #tpu.memory_space<hbm>>) target(%arg13 : memref<50x128xf32, #tpu.memory_space<vmem>>) offsets(%dma_start3A_177 : memref<50xi32, #tpu.memory_space<vmem>>) semaphore(%arg17 : memref<!tpu.dma_semaphore, #tpu.memory_space<semaphore_mem>>)
      } else {
      }
    }
    %scan3A_46 = arith.constant 50 : i32
    %barrier3A_47 = arith.constant 0 : index
    tpu.barrier barrier_id(%barrier3A_47)
    %scan3A_48 = arith.constant 0 : i32
    %scan3A_49 = arith.constant 0 : i32
    %scan3A_50 = arith.constant 5 : i32
    %scan3A_51 = arith.addi %scan3A_49, %scan3A_50 : i32
    %scan3A_52 = arith.constant 1 : i32
    scf.for %scan3A_60 = %scan3A_49 to %scan3A_51 step %scan3A_52  : i32 {
      %mul3A_61 = arith.constant 125 : i32
      %mul3A_62 = arith.muli %scan3A_60, %mul3A_61 : i32
      %add3A_63 = arith.addi %mul3A_2, %mul3A_62 : i32
      %mul3A_64 = arith.constant 125 : i32
      %mul3A_65 = arith.muli %scan3A_60, %mul3A_64 : i32
      %add3A_66 = arith.addi %mul3A_2, %mul3A_65 : i32
      %dma_start3A_67 = arith.constant 0 : i32
      %dma_start3A_68 = tpu.memref_slice %arg6[%arg0, %add3A_66, %dma_start3A_67] : memref<2x10000x128xf32, #tpu.memory_space<hbm>> -> memref<1x125x128xf32, #tpu.memory_space<hbm>>
      %dma_start3A_69 = tpu.memref_squeeze %dma_start3A_68 : memref<1x125x128xf32, #tpu.memory_space<hbm>> -> memref<125x128xf32, #tpu.memory_space<hbm>>
      %dma_start3A_70 = arith.constant 0 : i32
      %dma_start3A_71 = tpu.memref_slice %arg9[%add3A_63, %dma_start3A_70] : memref<10000x128xf32, #tpu.memory_space<vmem_shared>> -> memref<125x128xf32, #tpu.memory_space<vmem_shared>>
      tpu.enqueue_dma source(%dma_start3A_71 : memref<125x128xf32, #tpu.memory_space<vmem_shared>>) target(%dma_start3A_69 : memref<125x128xf32, #tpu.memory_space<hbm>>) target_semaphore(%arg14 : memref<!tpu.dma_semaphore, #tpu.memory_space<semaphore_mem>>)
    }
    %scan3A_53 = arith.constant 5 : i32
    %scan3A_54 = arith.constant 0 : i32
    %scan3A_55 = arith.constant 0 : i32
    %scan3A_56 = arith.constant 5 : i32
    %scan3A_57 = arith.addi %scan3A_55, %scan3A_56 : i32
    %scan3A_58 = arith.constant 1 : i32
    scf.for %scan3A_60 = %scan3A_55 to %scan3A_57 step %scan3A_58  : i32 {
      %dma_wait3A = arith.constant 0 : i32
      %dma_wait3A_61 = arith.constant 0 : i32
      %dma_wait3A_62 = tpu.memref_slice %arg6[%arg0, %dma_wait3A, %dma_wait3A_61] : memref<2x10000x128xf32, #tpu.memory_space<hbm>> -> memref<1x125x128xf32, #tpu.memory_space<hbm>>
      %dma_wait3A_63 = tpu.memref_squeeze %dma_wait3A_62 : memref<1x125x128xf32, #tpu.memory_space<hbm>> -> memref<125x128xf32, #tpu.memory_space<hbm>>
      %dma_wait3A_64 = arith.constant 0 : i32
      %dma_wait3A_65 = arith.constant 0 : i32
      %dma_wait3A_66 = tpu.memref_slice %arg9[%dma_wait3A_64, %dma_wait3A_65] : memref<10000x128xf32, #tpu.memory_space<vmem_shared>> -> memref<125x128xf32, #tpu.memory_space<vmem_shared>>
      tpu.wait_dma2 semaphore(%arg14 : memref<!tpu.dma_semaphore, #tpu.memory_space<semaphore_mem>>) src(%dma_wait3A_66 : memref<125x128xf32, #tpu.memory_space<vmem_shared>>) dst(%dma_wait3A_63 : memref<125x128xf32, #tpu.memory_space<hbm>>)
    }
    %scan3A_59 = arith.constant 5 : i32
    return
  }
}

module attributes {stable_mosaic.version = 14 : i64} {
  func.func @_in_body(%arg0: i32, %arg1: memref<5000x2xf32, #tpu.memory_space<vmem>>, %arg2: memref<5000x128xf32, #tpu.memory_space<vmem>>, %arg3: memref<128x128xf32, #tpu.memory_space<vmem>>, %arg4: memref<5000x128xf32, #tpu.memory_space<vmem>>, %arg5: memref<5000x1xf32, #tpu.memory_space<vmem>>) attributes {dimension_semantics = [#tpu.dimension_semantics<arbitrary>], iteration_bounds = array<i64: 2>, scalar_prefetch = 0 : i64, scratch_operands = 0 : i64, tpu.core_type = #tpu.core_type<tc>, window_params = [{transform_indices = @transform_0, window_bounds = array<i64: 5000, 2>}, {transform_indices = @transform_1, window_bounds = array<i64: 5000, 128>}, {pipeline_mode = #tpu.pipeline_mode<synchronous>, transform_indices = @transform_2, window_bounds = array<i64: 128, 128>}, {transform_indices = @transform_3, window_bounds = array<i64: 5000, 128>}, {transform_indices = @transform_4, window_bounds = array<i64: 5000, 1>}]} {
    %get3A = arith.constant 0 : index
    %get3A_0 = arith.constant 0 : index
    %get3A_1 = vector.load %arg1[%get3A, %get3A_0] : memref<5000x2xf32, #tpu.memory_space<vmem>>, vector<5000x2xf32>
    %reduce_sum3A = arith.constant dense<0.000000e+00> : vector<5000xf32>
    %reduce_sum3A_2 = vector.multi_reduction <add>, %get3A_1, %reduce_sum3A [1] : vector<5000x2xf32> to vector<5000xf32>
    %broadcast_in_dim3A = vector.shape_cast %reduce_sum3A_2 : vector<5000xf32> to vector<5000x1xf32>
    %max3A = arith.constant 1.000000e+00 : f32
    %max3A_3 = vector.broadcast %max3A : f32 to vector<5000x1xf32>
    %max3A_4 = arith.maximumf %broadcast_in_dim3A, %max3A_3 : vector<5000x1xf32>
    %rsqrt3A = math.rsqrt %max3A_4 : vector<5000x1xf32>
    %swap3A = arith.constant 0 : index
    %swap3A_5 = arith.constant 0 : index
    %swap3A_6 = vector.load %arg5[%swap3A, %swap3A_5] : memref<5000x1xf32, #tpu.memory_space<vmem>>, vector<5000x1xf32>
    tpu.vector_store %arg5[%swap3A, %swap3A_5], %rsqrt3A {strides = array<i32>} : memref<5000x1xf32, #tpu.memory_space<vmem>>, vector<5000x1xf32>,
    %get3A_7 = arith.constant 0 : index
    %get3A_8 = arith.constant 0 : index
    %get3A_9 = vector.load %arg2[%get3A_7, %get3A_8] : memref<5000x128xf32, #tpu.memory_space<vmem>>, vector<5000x128xf32>
    %get3A_10 = arith.constant 0 : index
    %get3A_11 = arith.constant 0 : index
    %get3A_12 = vector.load %arg3[%get3A_10, %get3A_11] : memref<128x128xf32, #tpu.memory_space<vmem>>, vector<128x128xf32>
    %dot_general3A = arith.constant dense<0.000000e+00> : vector<5000x128xf32>
    %dot_general3A_13 = tpu.matmul %get3A_9, %get3A_12, %dot_general3A {dimension_numbers = #tpu.dot_dimension_numbers<[1], [0], [0], [1], [0, 0, 1, 1], [], []>, transpose_lhs_hint = false} : vector<5000x128xf32>, vector<128x128xf32>, vector<5000x128xf32> -> vector<5000x128xf32>
    %mul3A = vector.broadcast %rsqrt3A : vector<5000x1xf32> to vector<5000x128xf32>
    %mul3A_14 = arith.mulf %dot_general3A_13, %mul3A : vector<5000x128xf32>
    %swap3A_15 = arith.constant 0 : index
    %swap3A_16 = arith.constant 0 : index
    %swap3A_17 = vector.load %arg4[%swap3A_15, %swap3A_16] : memref<5000x128xf32, #tpu.memory_space<vmem>>, vector<5000x128xf32>
    tpu.vector_store %arg4[%swap3A_15, %swap3A_16], %mul3A_14 {strides = array<i32>} : memref<5000x128xf32, #tpu.memory_space<vmem>>, vector<5000x128xf32>,
    return
  }
  func.func @transform_0(%arg0: i32) -> (i32, i32) {
    %c0_i32 = arith.constant 0 : i32
    %c0_i32_0 = arith.constant 0 : i32
    return %arg0, %c0_i32 : i32, i32
  }
  func.func @transform_1(%arg0: i32) -> (i32, i32) {
    %c0_i32 = arith.constant 0 : i32
    %c0_i32_0 = arith.constant 0 : i32
    return %arg0, %c0_i32 : i32, i32
  }
  func.func @transform_2(%arg0: i32) -> (i32, i32) {
    %c0_i32 = arith.constant 0 : i32
    %c0_i32_0 = arith.constant 0 : i32
    %c0_i32_1 = arith.constant 0 : i32
    return %c0_i32, %c0_i32_0 : i32, i32
  }
  func.func @transform_3(%arg0: i32) -> (i32, i32) {
    %c0_i32 = arith.constant 0 : i32
    %c0_i32_0 = arith.constant 0 : i32
    return %arg0, %c0_i32 : i32, i32
  }
  func.func @transform_4(%arg0: i32) -> (i32, i32) {
    %c0_i32 = arith.constant 0 : i32
    %c0_i32_0 = arith.constant 0 : i32
    return %arg0, %c0_i32 : i32, i32
  }
}

module attributes {stable_mosaic.version = 14 : i64} {
  func.func @_mid_body(%arg0: i32, %arg1: memref<5000x1xf32, #tpu.memory_space<vmem>>, %arg2: memref<2x5000x128xf32, #tpu.memory_space<vmem>>, %arg3: memref<128x128xf32, #tpu.memory_space<vmem>>, %arg4: memref<5000x128xf32, #tpu.memory_space<vmem>>) attributes {dimension_semantics = [#tpu.dimension_semantics<arbitrary>], iteration_bounds = array<i64: 2>, scalar_prefetch = 0 : i64, scratch_operands = 0 : i64, tpu.core_type = #tpu.core_type<tc>, window_params = [{transform_indices = @transform_0, window_bounds = array<i64: 5000, 1>}, {transform_indices = @transform_1, window_bounds = array<i64: 2, 5000, 128>}, {pipeline_mode = #tpu.pipeline_mode<synchronous>, transform_indices = @transform_2, window_bounds = array<i64: 128, 128>}, {transform_indices = @transform_3, window_bounds = array<i64: 5000, 128>}]} {
    %get3A = arith.constant 0 : index
    %get3A_0 = arith.constant 0 : index
    %get3A_1 = vector.load %arg1[%get3A, %get3A_0] : memref<5000x1xf32, #tpu.memory_space<vmem>>, vector<5000x1xf32>
    %get3A_2 = arith.constant 0 : index
    %get3A_3 = arith.constant 0 : index
    %get3A_4 = arith.constant 0 : index
    %get3A_5 = vector.load %arg2[%get3A_2, %get3A_3, %get3A_4] : memref<2x5000x128xf32, #tpu.memory_space<vmem>>, vector<2x5000x128xf32>
    %slice3A = vector.extract_strided_slice %get3A_5 {offsets = [0, 0, 0], sizes = [1, 5000, 128], strides = [1, 1, 1]} : vector<2x5000x128xf32> to vector<1x5000x128xf32>
    %squeeze3A = vector.shape_cast %slice3A : vector<1x5000x128xf32> to vector<5000x128xf32>
    %slice3A_6 = vector.extract_strided_slice %get3A_5 {offsets = [1, 0, 0], sizes = [1, 5000, 128], strides = [1, 1, 1]} : vector<2x5000x128xf32> to vector<1x5000x128xf32>
    %squeeze3A_7 = vector.shape_cast %slice3A_6 : vector<1x5000x128xf32> to vector<5000x128xf32>
    %add3A = arith.addf %squeeze3A, %squeeze3A_7 : vector<5000x128xf32>
    %mul3A = vector.broadcast %get3A_1 : vector<5000x1xf32> to vector<5000x128xf32>
    %mul3A_8 = arith.mulf %add3A, %mul3A : vector<5000x128xf32>
    %max3A = arith.constant 0.000000e+00 : f32
    %max3A_9 = vector.broadcast %max3A : f32 to vector<5000x128xf32>
    %max3A_10 = arith.maximumf %mul3A_8, %max3A_9 : vector<5000x128xf32>
    %get3A_11 = arith.constant 0 : index
    %get3A_12 = arith.constant 0 : index
    %get3A_13 = vector.load %arg3[%get3A_11, %get3A_12] : memref<128x128xf32, #tpu.memory_space<vmem>>, vector<128x128xf32>
    %dot_general3A = arith.constant dense<0.000000e+00> : vector<5000x128xf32>
    %dot_general3A_14 = tpu.matmul %max3A_10, %get3A_13, %dot_general3A {dimension_numbers = #tpu.dot_dimension_numbers<[1], [0], [0], [1], [0, 0, 1, 1], [], []>, transpose_lhs_hint = false} : vector<5000x128xf32>, vector<128x128xf32>, vector<5000x128xf32> -> vector<5000x128xf32>
    %mul3A_15 = vector.broadcast %get3A_1 : vector<5000x1xf32> to vector<5000x128xf32>
    %mul3A_16 = arith.mulf %dot_general3A_14, %mul3A_15 : vector<5000x128xf32>
    %swap3A = arith.constant 0 : index
    %swap3A_17 = arith.constant 0 : index
    %swap3A_18 = vector.load %arg4[%swap3A, %swap3A_17] : memref<5000x128xf32, #tpu.memory_space<vmem>>, vector<5000x128xf32>
    tpu.vector_store %arg4[%swap3A, %swap3A_17], %mul3A_16 {strides = array<i32>} : memref<5000x128xf32, #tpu.memory_space<vmem>>, vector<5000x128xf32>,
    return
  }
  func.func @transform_0(%arg0: i32) -> (i32, i32) {
    %c0_i32 = arith.constant 0 : i32
    %c0_i32_0 = arith.constant 0 : i32
    return %arg0, %c0_i32 : i32, i32
  }
  func.func @transform_1(%arg0: i32) -> (i32, i32, i32) {
    %c0_i32 = arith.constant 0 : i32
    %c0_i32_0 = arith.constant 0 : i32
    %c0_i32_1 = arith.constant 0 : i32
    return %c0_i32, %arg0, %c0_i32_0 : i32, i32, i32
  }
  func.func @transform_2(%arg0: i32) -> (i32, i32) {
    %c0_i32 = arith.constant 0 : i32
    %c0_i32_0 = arith.constant 0 : i32
    %c0_i32_1 = arith.constant 0 : i32
    return %c0_i32, %c0_i32_0 : i32, i32
  }
  func.func @transform_3(%arg0: i32) -> (i32, i32) {
    %c0_i32 = arith.constant 0 : i32
    %c0_i32_0 = arith.constant 0 : i32
    return %arg0, %c0_i32 : i32, i32
  }
}

module attributes {stable_mosaic.version = 14 : i64} {
  func.func @_fin_body(%arg0: i32, %arg1: memref<2xi32, #tpu.memory_space<smem>>, %arg2: memref<5000x1xf32, #tpu.memory_space<vmem>>, %arg3: memref<2x5000x128xf32, #tpu.memory_space<vmem>>, %arg4: memref<5000x128xf32, #tpu.memory_space<vmem>>, %arg5: memref<128x128xf32, #tpu.memory_space<vmem>>, %arg6: memref<128x1xf32, #tpu.memory_space<vmem>>, %arg7: memref<128x128xf32, #tpu.memory_space<vmem>>, %arg8: memref<128x128xf32, #tpu.memory_space<vmem>>, %arg9: memref<1x128xf32, #tpu.memory_space<vmem>>, %arg10: memref<1x1xf32, #tpu.memory_space<vmem>>, %arg11: memref<4xf32, #tpu.memory_space<smem>>, %arg12: memref<1x128xf32, #tpu.memory_space<vmem>>) attributes {dimension_semantics = [#tpu.dimension_semantics<arbitrary>], iteration_bounds = array<i64: 2>, scalar_prefetch = 0 : i64, scratch_operands = 2 : i64, tpu.core_type = #tpu.core_type<tc>, window_params = [{transform_indices = @transform_0, window_bounds = array<i64: 2>}, {transform_indices = @transform_1, window_bounds = array<i64: 5000, 1>}, {transform_indices = @transform_2, window_bounds = array<i64: 2, 5000, 128>}, {transform_indices = @transform_3, window_bounds = array<i64: 5000, 128>}, {pipeline_mode = #tpu.pipeline_mode<synchronous>, transform_indices = @transform_4, window_bounds = array<i64: 128, 128>}, {pipeline_mode = #tpu.pipeline_mode<synchronous>, transform_indices = @transform_5, window_bounds = array<i64: 128, 1>}, {pipeline_mode = #tpu.pipeline_mode<synchronous>, transform_indices = @transform_6, window_bounds = array<i64: 128, 128>}, {pipeline_mode = #tpu.pipeline_mode<synchronous>, transform_indices = @transform_7, window_bounds = array<i64: 128, 128>}, {pipeline_mode = #tpu.pipeline_mode<synchronous>, transform_indices = @transform_8, window_bounds = array<i64: 1, 128>}, {pipeline_mode = #tpu.pipeline_mode<synchronous>, transform_indices = @transform_9, window_bounds = array<i64: 1, 1>}]} {
    %eq3A = arith.constant 0 : i32
    %eq3A_0 = arith.cmpi eq, %arg0, %eq3A : i32
    %convert_element_type3A = arith.extui %eq3A_0 : i1 to i32
    %cond3A = arith.constant 0 : i32
    %cond3A_1 = arith.cmpi ne, %convert_element_type3A, %cond3A : i32
    scf.if %cond3A_1 {
      %swap3A_111 = arith.constant 0.000000e+00 : f32
      %swap3A_112 = arith.constant 0 : index
      %swap3A_113 = memref.load %arg11[%swap3A_112] : memref<4xf32, #tpu.memory_space<smem>>
      memref.store %swap3A_111, %arg11[%swap3A_112] : memref<4xf32, #tpu.memory_space<smem>>
      %swap3A_114 = arith.constant 0.000000e+00 : f32
      %swap3A_115 = arith.constant 1 : index
      %swap3A_116 = memref.load %arg11[%swap3A_115] : memref<4xf32, #tpu.memory_space<smem>>
      memref.store %swap3A_114, %arg11[%swap3A_115] : memref<4xf32, #tpu.memory_space<smem>>
      %swap3A_117 = arith.constant 0.000000e+00 : f32
      %swap3A_118 = arith.constant 2 : index
      %swap3A_119 = memref.load %arg11[%swap3A_118] : memref<4xf32, #tpu.memory_space<smem>>
      memref.store %swap3A_117, %arg11[%swap3A_118] : memref<4xf32, #tpu.memory_space<smem>>
      %broadcast_in_dim3A_120 = arith.constant 0.000000e+00 : f32
      %broadcast_in_dim3A_121 = vector.broadcast %broadcast_in_dim3A_120 : f32 to vector<1x128xf32>
      %swap3A_122 = arith.constant 0 : index
      %swap3A_123 = arith.constant 0 : index
      %swap3A_124 = vector.load %arg12[%swap3A_122, %swap3A_123] : memref<1x128xf32, #tpu.memory_space<vmem>>, vector<1x128xf32>
      tpu.vector_store %arg12[%swap3A_122, %swap3A_123], %broadcast_in_dim3A_121 {strides = array<i32>} : memref<1x128xf32, #tpu.memory_space<vmem>>, vector<1x128xf32>,
    } else {
    }
    %get3A = arith.constant 0 : index
    %get3A_2 = memref.load %arg1[%get3A] : memref<2xi32, #tpu.memory_space<smem>>
    %get3A_3 = arith.constant 1 : index
    %get3A_4 = memref.load %arg1[%get3A_3] : memref<2xi32, #tpu.memory_space<smem>>
    %get3A_5 = arith.constant 0 : index
    %get3A_6 = arith.constant 0 : index
    %get3A_7 = vector.load %arg2[%get3A_5, %get3A_6] : memref<5000x1xf32, #tpu.memory_space<vmem>>, vector<5000x1xf32>
    %get3A_8 = arith.constant 0 : index
    %get3A_9 = arith.constant 0 : index
    %get3A_10 = arith.constant 0 : index
    %get3A_11 = vector.load %arg3[%get3A_8, %get3A_9, %get3A_10] : memref<2x5000x128xf32, #tpu.memory_space<vmem>>, vector<2x5000x128xf32>
    %slice3A = vector.extract_strided_slice %get3A_11 {offsets = [0, 0, 0], sizes = [1, 5000, 128], strides = [1, 1, 1]} : vector<2x5000x128xf32> to vector<1x5000x128xf32>
    %squeeze3A = vector.shape_cast %slice3A : vector<1x5000x128xf32> to vector<5000x128xf32>
    %slice3A_12 = vector.extract_strided_slice %get3A_11 {offsets = [1, 0, 0], sizes = [1, 5000, 128], strides = [1, 1, 1]} : vector<2x5000x128xf32> to vector<1x5000x128xf32>
    %squeeze3A_13 = vector.shape_cast %slice3A_12 : vector<1x5000x128xf32> to vector<5000x128xf32>
    %add3A = arith.addf %squeeze3A, %squeeze3A_13 : vector<5000x128xf32>
    %mul3A = vector.broadcast %get3A_7 : vector<5000x1xf32> to vector<5000x128xf32>
    %mul3A_14 = arith.mulf %add3A, %mul3A : vector<5000x128xf32>
    %max3A = arith.constant 0.000000e+00 : f32
    %max3A_15 = vector.broadcast %max3A : f32 to vector<5000x128xf32>
    %max3A_16 = arith.maximumf %mul3A_14, %max3A_15 : vector<5000x128xf32>
    %get3A_17 = arith.constant 0 : index
    %get3A_18 = arith.constant 0 : index
    %get3A_19 = vector.load %arg5[%get3A_17, %get3A_18] : memref<128x128xf32, #tpu.memory_space<vmem>>, vector<128x128xf32>
    %dot_general3A = arith.constant dense<0.000000e+00> : vector<5000x128xf32>
    %dot_general3A_20 = tpu.matmul %max3A_16, %get3A_19, %dot_general3A {dimension_numbers = #tpu.dot_dimension_numbers<[1], [0], [0], [1], [0, 0, 1, 1], [], []>, transpose_lhs_hint = false} : vector<5000x128xf32>, vector<128x128xf32>, vector<5000x128xf32> -> vector<5000x128xf32>
    %get3A_21 = arith.constant 0 : index
    %get3A_22 = arith.constant 0 : index
    %get3A_23 = vector.load %arg4[%get3A_21, %get3A_22] : memref<5000x128xf32, #tpu.memory_space<vmem>>, vector<5000x128xf32>
    %iota3A = tpu.iota {dimensions = array<i32: 1>} : vector<5000x128xi32>
    %lt3A = arith.constant 10 : i32
    %lt3A_24 = vector.broadcast %lt3A : i32 to vector<5000x128xi32>
    %lt3A_25 = arith.cmpi slt, %iota3A, %lt3A_24 : vector<5000x128xi32>
    %jit3A = arith.constant -1.000000e+30 : f32
    %broadcast_in_dim3A = vector.broadcast %jit3A : f32 to vector<5000x128xf32>
    %select_n3A = arith.select %lt3A_25, %dot_general3A_20, %broadcast_in_dim3A : vector<5000x128xi1>, vector<5000x128xf32>
    %reduce_max3A = arith.constant dense<0xFF800000> : vector<5000xf32>
    %reduce_max3A_26 = vector.multi_reduction <maximumf>, %select_n3A, %reduce_max3A [1] : vector<5000x128xf32> to vector<5000xf32>
    %broadcast_in_dim3A_27 = vector.shape_cast %reduce_max3A_26 : vector<5000xf32> to vector<5000x1xf32>
    %lt3A_28 = arith.constant 10 : i32
    %lt3A_29 = vector.broadcast %lt3A_28 : i32 to vector<5000x128xi32>
    %lt3A_30 = arith.cmpi slt, %iota3A, %lt3A_29 : vector<5000x128xi32>
    %sub3A = vector.broadcast %broadcast_in_dim3A_27 : vector<5000x1xf32> to vector<5000x128xf32>
    %sub3A_31 = arith.subf %dot_general3A_20, %sub3A : vector<5000x128xf32>
    %exp3A = math.exp %sub3A_31 : vector<5000x128xf32>
    %jit3A_32 = arith.constant 0.000000e+00 : f32
    %broadcast_in_dim3A_33 = vector.broadcast %jit3A_32 : f32 to vector<5000x128xf32>
    %select_n3A_34 = arith.select %lt3A_30, %exp3A, %broadcast_in_dim3A_33 : vector<5000x128xi1>, vector<5000x128xf32>
    %reduce_sum3A = arith.constant dense<0.000000e+00> : vector<5000xf32>
    %reduce_sum3A_35 = vector.multi_reduction <add>, %select_n3A_34, %reduce_sum3A [1] : vector<5000x128xf32> to vector<5000xf32>
    %broadcast_in_dim3A_36 = vector.shape_cast %reduce_sum3A_35 : vector<5000xf32> to vector<5000x1xf32>
    %mul3A_37 = arith.mulf %select_n3A_34, %get3A_23 : vector<5000x128xf32>
    %reduce_sum3A_38 = arith.constant dense<0.000000e+00> : vector<5000xf32>
    %reduce_sum3A_39 = vector.multi_reduction <add>, %mul3A_37, %reduce_sum3A_38 [1] : vector<5000x128xf32> to vector<5000xf32>
    %broadcast_in_dim3A_40 = vector.shape_cast %reduce_sum3A_39 : vector<5000xf32> to vector<5000x1xf32>
    %get3A_41 = arith.constant 0 : index
    %get3A_42 = memref.load %arg11[%get3A_41] : memref<4xf32, #tpu.memory_space<smem>>
    %div3A = arith.divf %broadcast_in_dim3A_40, %broadcast_in_dim3A_36 : vector<5000x1xf32>
    %add3A_43 = arith.constant 9.99999996E-13 : f32
    %add3A_44 = vector.broadcast %add3A_43 : f32 to vector<5000x1xf32>
    %add3A_45 = arith.addf %div3A, %add3A_44 : vector<5000x1xf32>
    %log3A = math.log %add3A_45 : vector<5000x1xf32>
    %reduce_sum3A_46 = vector.shape_cast %log3A : vector<5000x1xf32> to vector<1x5000x1xf32>
    %reduce_sum3A_47 = arith.constant dense<0.000000e+00> : vector<1xf32>
    %reduce_sum3A_48 = vector.multi_reduction <add>, %reduce_sum3A_46, %reduce_sum3A_47 [1, 2] : vector<1x5000x1xf32> to vector<1xf32>
    %reduce_sum3A_49 = vector.shape_cast %reduce_sum3A_48 : vector<1xf32> to vector<1x1x1xf32>
    %reduce_sum3A_50 = vector.extract %reduce_sum3A_49[0, 0, 0] : f32 from vector<1x1x1xf32>
    %add3A_51 = arith.addf %get3A_42, %reduce_sum3A_50 : f32
    %swap3A = arith.constant 0 : index
    %swap3A_52 = memref.load %arg11[%swap3A] : memref<4xf32, #tpu.memory_space<smem>>
    memref.store %add3A_51, %arg11[%swap3A] : memref<4xf32, #tpu.memory_space<smem>>
    %get3A_53 = arith.constant 0 : index
    %get3A_54 = arith.constant 0 : index
    %get3A_55 = vector.load %arg6[%get3A_53, %get3A_54] : memref<128x1xf32, #tpu.memory_space<vmem>>, vector<128x1xf32>
    %dot_general3A_56 = arith.constant dense<0.000000e+00> : vector<5000x1xf32>
    %dot_general3A_57 = tpu.matmul %get3A_23, %get3A_55, %dot_general3A_56 {dimension_numbers = #tpu.dot_dimension_numbers<[1], [0], [0], [1], [0, 0, 1, 1], [], []>, transpose_lhs_hint = false} : vector<5000x128xf32>, vector<128x1xf32>, vector<5000x1xf32> -> vector<5000x1xf32>
    %get3A_58 = arith.constant 1 : index
    %get3A_59 = memref.load %arg11[%get3A_58] : memref<4xf32, #tpu.memory_space<smem>>
    %exp3A_60 = math.exp %dot_general3A_57 : vector<5000x1xf32>
    %reduce_sum3A_61 = vector.shape_cast %exp3A_60 : vector<5000x1xf32> to vector<1x5000x1xf32>
    %reduce_sum3A_62 = arith.constant dense<0.000000e+00> : vector<1xf32>
    %reduce_sum3A_63 = vector.multi_reduction <add>, %reduce_sum3A_61, %reduce_sum3A_62 [1, 2] : vector<1x5000x1xf32> to vector<1xf32>
    %reduce_sum3A_64 = vector.shape_cast %reduce_sum3A_63 : vector<1xf32> to vector<1x1x1xf32>
    %reduce_sum3A_65 = vector.extract %reduce_sum3A_64[0, 0, 0] : f32 from vector<1x1x1xf32>
    %add3A_66 = arith.addf %get3A_59, %reduce_sum3A_65 : f32
    %swap3A_67 = arith.constant 1 : index
    %swap3A_68 = memref.load %arg11[%swap3A_67] : memref<4xf32, #tpu.memory_space<smem>>
    memref.store %add3A_66, %arg11[%swap3A_67] : memref<4xf32, #tpu.memory_space<smem>>
    %iota3A_69 = tpu.iota {dimensions = array<i32: 0>} : vector<5000x1xi32>
    %mul3A_70 = arith.constant 5000 : i32
    %mul3A_71 = arith.muli %arg0, %mul3A_70 : i32
    %add3A_72 = vector.broadcast %mul3A_71 : i32 to vector<5000x1xi32>
    %add3A_73 = arith.addi %iota3A_69, %add3A_72 : vector<5000x1xi32>
    %get3A_74 = arith.constant 2 : index
    %get3A_75 = memref.load %arg11[%get3A_74] : memref<4xf32, #tpu.memory_space<smem>>
    %eq3A_76 = vector.broadcast %get3A_4 : i32 to vector<5000x1xi32>
    %eq3A_77 = arith.cmpi eq, %add3A_73, %eq3A_76 : vector<5000x1xi32>
    %jit3A_78 = arith.constant 0.000000e+00 : f32
    %broadcast_in_dim3A_79 = vector.broadcast %jit3A_78 : f32 to vector<5000x1xf32>
    %select_n3A_80 = arith.select %eq3A_77, %dot_general3A_57, %broadcast_in_dim3A_79 : vector<5000x1xi1>, vector<5000x1xf32>
    %reduce_sum3A_81 = vector.shape_cast %select_n3A_80 : vector<5000x1xf32> to vector<1x5000x1xf32>
    %reduce_sum3A_82 = arith.constant dense<0.000000e+00> : vector<1xf32>
    %reduce_sum3A_83 = vector.multi_reduction <add>, %reduce_sum3A_81, %reduce_sum3A_82 [1, 2] : vector<1x5000x1xf32> to vector<1xf32>
    %reduce_sum3A_84 = vector.shape_cast %reduce_sum3A_83 : vector<1xf32> to vector<1x1x1xf32>
    %reduce_sum3A_85 = vector.extract %reduce_sum3A_84[0, 0, 0] : f32 from vector<1x1x1xf32>
    %add3A_86 = arith.addf %get3A_75, %reduce_sum3A_85 : f32
    %swap3A_87 = arith.constant 2 : index
    %swap3A_88 = memref.load %arg11[%swap3A_87] : memref<4xf32, #tpu.memory_space<smem>>
    memref.store %add3A_86, %arg11[%swap3A_87] : memref<4xf32, #tpu.memory_space<smem>>
    %get3A_89 = arith.constant 0 : index
    %get3A_90 = arith.constant 0 : index
    %get3A_91 = vector.load %arg12[%get3A_89, %get3A_90] : memref<1x128xf32, #tpu.memory_space<vmem>>, vector<1x128xf32>
    %eq3A_92 = vector.broadcast %get3A_2 : i32 to vector<5000x1xi32>
    %eq3A_93 = arith.cmpi eq, %add3A_73, %eq3A_92 : vector<5000x1xi32>
    %jit3A_94 = arith.constant 0.000000e+00 : f32
    %broadcast_in_dim3A_95 = vector.shape_cast %eq3A_93 : vector<5000x1xi1> to vector<5000x1xi1>
    %broadcast_in_dim3A_96 = vector.broadcast %broadcast_in_dim3A_95 : vector<5000x1xi1> to vector<5000x128xi1>
    %broadcast_in_dim3A_97 = vector.broadcast %jit3A_94 : f32 to vector<5000x128xf32>
    %select_n3A_98 = arith.select %broadcast_in_dim3A_96, %get3A_23, %broadcast_in_dim3A_97 : vector<5000x128xi1>, vector<5000x128xf32>
    %reduce_sum3A_99 = arith.constant dense<0.000000e+00> : vector<128xf32>
    %reduce_sum3A_100 = vector.multi_reduction <add>, %select_n3A_98, %reduce_sum3A_99 [0] : vector<5000x128xf32> to vector<128xf32>
    %broadcast_in_dim3A_101 = vector.shape_cast %reduce_sum3A_100 : vector<128xf32> to vector<1x128xf32>
    %add3A_102 = arith.addf %get3A_91, %broadcast_in_dim3A_101 : vector<1x128xf32>
    %swap3A_103 = arith.constant 0 : index
    %swap3A_104 = arith.constant 0 : index
    %swap3A_105 = vector.load %arg12[%swap3A_103, %swap3A_104] : memref<1x128xf32, #tpu.memory_space<vmem>>, vector<1x128xf32>
    tpu.vector_store %arg12[%swap3A_103, %swap3A_104], %add3A_102 {strides = array<i32>} : memref<1x128xf32, #tpu.memory_space<vmem>>, vector<1x128xf32>,
    %eq3A_106 = arith.constant 1 : i32
    %eq3A_107 = arith.cmpi eq, %arg0, %eq3A_106 : i32
    %convert_element_type3A_108 = arith.extui %eq3A_107 : i1 to i32
    %cond3A_109 = arith.constant 0 : i32
    %cond3A_110 = arith.cmpi ne, %convert_element_type3A_108, %cond3A_109 : i32
    scf.if %cond3A_110 {
      %get3A_111 = arith.constant 0 : index
      %get3A_112 = arith.constant 0 : index
      %get3A_113 = vector.load %arg12[%get3A_111, %get3A_112] : memref<1x128xf32, #tpu.memory_space<vmem>>, vector<1x128xf32>
      %get3A_114 = arith.constant 0 : index
      %get3A_115 = arith.constant 0 : index
      %get3A_116 = vector.load %arg7[%get3A_114, %get3A_115] : memref<128x128xf32, #tpu.memory_space<vmem>>, vector<128x128xf32>
      %dot_general3A_117 = arith.constant dense<0.000000e+00> : vector<1x128xf32>
      %dot_general3A_118 = tpu.matmul %get3A_113, %get3A_116, %dot_general3A_117 {dimension_numbers = #tpu.dot_dimension_numbers<[1], [0], [0], [1], [0, 0, 1, 1], [], []>, transpose_lhs_hint = false} : vector<1x128xf32>, vector<128x128xf32>, vector<1x128xf32> -> vector<1x128xf32>
      %max3A_119 = arith.constant 0.000000e+00 : f32
      %max3A_120 = vector.broadcast %max3A_119 : f32 to vector<1x128xf32>
      %max3A_121 = arith.maximumf %dot_general3A_118, %max3A_120 : vector<1x128xf32>
      %get3A_122 = arith.constant 0 : index
      %get3A_123 = arith.constant 0 : index
      %get3A_124 = vector.load %arg8[%get3A_122, %get3A_123] : memref<128x128xf32, #tpu.memory_space<vmem>>, vector<128x128xf32>
      %dot_general3A_125 = arith.constant dense<0.000000e+00> : vector<1x128xf32>
      %dot_general3A_126 = tpu.matmul %max3A_121, %get3A_124, %dot_general3A_125 {dimension_numbers = #tpu.dot_dimension_numbers<[1], [0], [0], [1], [0, 0, 1, 1], [], []>, transpose_lhs_hint = false} : vector<1x128xf32>, vector<128x128xf32>, vector<1x128xf32> -> vector<1x128xf32>
      %max3A_127 = arith.constant 0.000000e+00 : f32
      %max3A_128 = vector.broadcast %max3A_127 : f32 to vector<1x128xf32>
      %max3A_129 = arith.maximumf %dot_general3A_126, %max3A_128 : vector<1x128xf32>
      %get3A_130 = arith.constant 0 : index
      %get3A_131 = arith.constant 0 : index
      %get3A_132 = vector.load %arg9[%get3A_130, %get3A_131] : memref<1x128xf32, #tpu.memory_space<vmem>>, vector<1x128xf32>
      %mul3A_133 = arith.mulf %max3A_129, %get3A_132 : vector<1x128xf32>
      %reduce_sum3A_134 = vector.shape_cast %mul3A_133 : vector<1x128xf32> to vector<1x1x128xf32>
      %reduce_sum3A_135 = arith.constant dense<0.000000e+00> : vector<1xf32>
      %reduce_sum3A_136 = vector.multi_reduction <add>, %reduce_sum3A_134, %reduce_sum3A_135 [1, 2] : vector<1x1x128xf32> to vector<1xf32>
      %reduce_sum3A_137 = vector.shape_cast %reduce_sum3A_136 : vector<1xf32> to vector<1x1x1xf32>
      %reduce_sum3A_138 = vector.extract %reduce_sum3A_137[0, 0, 0] : f32 from vector<1x1x1xf32>
      %get3A_139 = arith.constant 2 : index
      %get3A_140 = memref.load %arg11[%get3A_139] : memref<4xf32, #tpu.memory_space<smem>>
      %eq3A_141 = arith.cmpi eq, %get3A_2, %get3A_4 : i32
      %jit3A_142 = arith.constant 0.000000e+00 : f32
      %select_n3A_143 = arith.select %eq3A_141, %reduce_sum3A_138, %jit3A_142 : f32
      %add3A_144 = arith.addf %get3A_140, %select_n3A_143 : f32
      %get3A_145 = arith.constant 10 : index
      %get3A_146 = arith.constant 0 : index
      %get3A_147 = vector.load %arg6[%get3A_145, %get3A_146] : memref<128x1xf32, #tpu.memory_space<vmem>>, vector<1x1xf32>
      %get3A_148 = vector.extract %get3A_147[0, 0] : f32 from vector<1x1xf32>
      %get3A_149 = arith.constant 1 : index
      %get3A_150 = memref.load %arg11[%get3A_149] : memref<4xf32, #tpu.memory_space<smem>>
      %exp3A_151 = math.exp %get3A_140 : f32
      %sub3A_152 = arith.subf %get3A_150, %exp3A_151 : f32
      %exp3A_153 = math.exp %add3A_144 : f32
      %add3A_154 = arith.addf %sub3A_152, %exp3A_153 : f32
      %exp3A_155 = math.exp %get3A_148 : f32
      %add3A_156 = arith.addf %add3A_154, %exp3A_155 : f32
      %get3A_157 = arith.constant 0 : index
      %get3A_158 = memref.load %arg11[%get3A_157] : memref<4xf32, #tpu.memory_space<smem>>
      %exp3A_159 = math.exp %add3A_144 : f32
      %div3A_160 = arith.divf %exp3A_159, %add3A_156 : f32
      %add3A_161 = arith.constant 9.99999996E-13 : f32
      %add3A_162 = arith.addf %div3A_160, %add3A_161 : f32
      %log3A_163 = math.log %add3A_162 : f32
      %add3A_164 = arith.addf %get3A_158, %log3A_163 : f32
      %reshape3A = vector.broadcast %add3A_164 : f32 to vector<1x1xf32>
      %swap3A_165 = arith.constant 0 : index
      %swap3A_166 = arith.constant 0 : index
      %swap3A_167 = vector.load %arg10[%swap3A_165, %swap3A_166] : memref<1x1xf32, #tpu.memory_space<vmem>>, vector<1x1xf32>
      tpu.vector_store %arg10[%swap3A_165, %swap3A_166], %reshape3A {strides = array<i32>} : memref<1x1xf32, #tpu.memory_space<vmem>>, vector<1x1xf32>,
    } else {
    }
    return
  }
  func.func @transform_0(%arg0: i32) -> i32 {
    %c0_i32 = arith.constant 0 : i32
    %c0_i32_0 = arith.constant 0 : i32
    return %c0_i32 : i32
  }
  func.func @transform_1(%arg0: i32) -> (i32, i32) {
    %c0_i32 = arith.constant 0 : i32
    %c0_i32_0 = arith.constant 0 : i32
    return %arg0, %c0_i32 : i32, i32
  }
  func.func @transform_2(%arg0: i32) -> (i32, i32, i32) {
    %c0_i32 = arith.constant 0 : i32
    %c0_i32_0 = arith.constant 0 : i32
    %c0_i32_1 = arith.constant 0 : i32
    return %c0_i32, %arg0, %c0_i32_0 : i32, i32, i32
  }
  func.func @transform_3(%arg0: i32) -> (i32, i32) {
    %c0_i32 = arith.constant 0 : i32
    %c0_i32_0 = arith.constant 0 : i32
    return %arg0, %c0_i32 : i32, i32
  }
  func.func @transform_4(%arg0: i32) -> (i32, i32) {
    %c0_i32 = arith.constant 0 : i32
    %c0_i32_0 = arith.constant 0 : i32
    %c0_i32_1 = arith.constant 0 : i32
    return %c0_i32, %c0_i32_0 : i32, i32
  }
  func.func @transform_5(%arg0: i32) -> (i32, i32) {
    %c0_i32 = arith.constant 0 : i32
    %c0_i32_0 = arith.constant 0 : i32
    %c0_i32_1 = arith.constant 0 : i32
    return %c0_i32, %c0_i32_0 : i32, i32
  }
  func.func @transform_6(%arg0: i32) -> (i32, i32) {
    %c0_i32 = arith.constant 0 : i32
    %c0_i32_0 = arith.constant 0 : i32
    %c0_i32_1 = arith.constant 0 : i32
    return %c0_i32, %c0_i32_0 : i32, i32
  }
  func.func @transform_7(%arg0: i32) -> (i32, i32) {
    %c0_i32 = arith.constant 0 : i32
    %c0_i32_0 = arith.constant 0 : i32
    %c0_i32_1 = arith.constant 0 : i32
    return %c0_i32, %c0_i32_0 : i32, i32
  }
  func.func @transform_8(%arg0: i32) -> (i32, i32) {
    %c0_i32 = arith.constant 0 : i32
    %c0_i32_0 = arith.constant 0 : i32
    %c0_i32_1 = arith.constant 0 : i32
    return %c0_i32, %c0_i32_0 : i32, i32
  }
  func.func @transform_9(%arg0: i32) -> (i32, i32) {
    %c0_i32 = arith.constant 0 : i32
    %c0_i32_0 = arith.constant 0 : i32
    %c0_i32_1 = arith.constant 0 : i32
    return %c0_i32, %c0_i32_0 : i32, i32
  }
}

</mosaic_0001>

<sc_bundles>
// kernel: kernel.11.cloned.1.call-start
scs
__scs_entry_jumppad:
0x0: {  	(pc) =	sbr.rel $0x88, $3  }
0x1: {  	(tag) =	ssettag $0x0;
	lr =	simm.s32 $0x1  }
0x2: {  	[smem:$0x3F98] =	sst lr;
	_ =	strace $0xD0000000  }
0x3: {  	_ = 	snop  }
0x4: {  	_ = 	snop  }
0x5: {  	_ = 	snop  }
0x6: {  	_ = 	snop  }
0x7: {  	_ = 	snop  }
__scs_overlays_trampoline_lowered:
0x8: {  	[smem:$0x3FA7] =	sst s0  }
0x9: {  	[smem:$0x3FA8] =	sst s1  }
0xa: {  	[smem:$0x3FA9] =	sst s2  }
0xb: {  	[smem:$0x3FAA] =	sst s3  }
0xc: {  	[smem:$0x3FAB] =	sst s4  }
0xd: {  	[smem:$0x3FAC] =	sst s5  }
0xe: {  	[smem:$0x3FAD] =	sst s6  }
0xf: {  	[smem:$0x3FAE] =	sst s7  }
0x10: {  	[smem:$0x3FAF] =	sst s8  }
0x11: {  	[smem:$0x3FB0] =	sst s9;
	s0 =	simm.s32 @!p0 $0x0  }
0x12: {  	s1 =	sld [smem:$0x3F96];
	s0 =	simm.s32 @p0 $0x1  }
0x13: {  	[smem:$0x3FB1] =	sst s0;
	s0 =	simm.s32 @!p1 $0x0  }
0x14: {  	s2 =	sld [smem:$0x3F95];
	s0 =	simm.s32 @p1 $0x1  }
0x15: {  	[smem:$0x3FB2] =	sst s0;
	s0 =	simm.s32 @!p2 $0x0  }
0x16: {  	s3 =	sld [smem:$0x3FDB];
	s0 =	simm.s32 @p2 $0x1  }
0x17: {  	s4 =	simm.s32 $0x1BF5;
	[smem:$0x3FB4] =	sst s0  }
0x18: {  	s0 =	sld [smem:$0x3F97];
	_ =	swait.ge [sflag:s4], $0x0  }
0x19: {  	s7 =	sld [smem:$0x3F98]  }
0x1a: {  	s8 =	sadd.s32 $0xFFFFE003, lr  }
0x1b: {  	s9 =	sadd.s32 $0xFFFFFEF7, lr;
	s5 =	simm.s32 $0xFFFFFFFF;
	p2 =	slt.u32 s8, $0xFFFFF086  }
0x1c: {  	p1 =	slt.u32 s9, $0xF7A;
	s5 =	simm.s32 @!p2 $0x0  }
0x1d: {  	s5 =	simm.s32 @p1 $0x1;
	p0 =	seq.s32 s7, s2  }
0x1e: {  	s7 =	smul.u32 @!p0 $0xF7A, s2;
	p2 =	seq.s32 @!p0 s5, $0x0  }
0x1f: {  	s9 =	smul.u32 $0xF7A, s1;
	s8 =	simm.s32 @!p0 $0x1BF5;
	p2 =	por !p2, p0  }
0x20: {  	[sflag:s8] =	ssyncset.s32 @!p0 $0xFFFFF086;
	s6 =	sadd.s32 @!p0 s3, s7;
	s7 =	simm.s32 @!p0 $0x108  }
0x21: {  	s3 =	sadd.s32 s3, s9;
	s6 =	sadd.s32 @!p0 $0x88, s6;
	s7 =	simm.s32 @p2 $0x1082  }
0x22: {  	[simem:s7], [sflag:s8] =	dma.local @!p0 [hbm:s6], $0xF7A  }
0x23: {  	s9 =	sor.u32 $0xD0000000, s2;
	s6 =	simm.s32 $0x108;
	_ =	swait.ge @!p0 [sflag:s8], $0x0  }
0x24: {  	s3 =	sadd.s32 $0x88, s3;
	s6 =	simm.s32 @!p1 $0x1082;
	[sflag:s4] =	ssyncset.s32 $0xFFFFF086  }
0x25: {  	[simem:s6], [sflag:s4] =	dma.local [hbm:s3], $0xF7A  }
0x26: {  	[smem:$0x3F98] =	sst s1;
	(tag) =	ssettag s2;
	_ =	strace s9  }
0x27: {  	s1 =	sld [smem:$0x3FA8]  }
0x28: {  	s2 =	sld [smem:$0x3FA9]  }
0x29: {  	s4 =	sld [smem:$0x3FAB]  }
0x2a: {  	p0 =	seq.s32 s5, $0x0;
	s5 =	sld [smem:$0x3FAC]  }
0x2b: {  	s6 =	sld [smem:$0x3FAD]  }
0x2c: {  	s7 =	sld [smem:$0x3FAE]  }
0x2d: {  	s3 =	simm.s32 $0x108;
	s8 =	sld [smem:$0x3FAF]  }
0x2e: {  	s3 =	simm.s32 @!p0 $0x1082;
	s9 =	sld [smem:$0x3FB0]  }
0x2f: {  	lr =	sadd.s32 s0, s3;
	s0 =	sld [smem:$0x3FA7]  }
0x30: {  	s3 =	sld [smem:$0x3FAA]  }
0x31: {  	[smem:$0x3FB3] =	sst s10  }
0x32: {  	s10 =	sld [smem:$0x3FB1];
	_ =	sdelay $0x3  }
0x33: {  	p0 =	seq.s32 s10, $0x1;
	s10 =	sld [smem:$0x3FB3];
	_ =	sdelay $0x3  }
0x34: {  	[smem:$0x3FB3] =	sst s10  }
0x35: {  	s10 =	sld [smem:$0x3FB2];
	_ =	sdelay $0x3  }
0x36: {  	p1 =	seq.s32 s10, $0x1;
	s10 =	sld [smem:$0x3FB3];
	_ =	sdelay $0x3  }
0x37: {  	[smem:$0x3FB3] =	sst s10  }
0x38: {  	s10 =	sld [smem:$0x3FB4]  }
0x39: {  	_ = 	snop;
	(pc) =	sbr.ind lr, $3  }
0x3a: {  	_ = 	snop  }
0x3b: {  	_ = 	snop  }
0x3c: {  	p2 =	seq.s32 s10, $0x1;
	s10 =	sld [smem:$0x3FB3]  }
0x3d: {  	_ =	shalt  }
0x3e: {  	_ =	shalt  }
0x3f: {  	_ =	shalt  }
0x40: {  	_ =	shalt  }
0x41: {  	_ =	shalt  }
0x42: {  	_ =	shalt  }
0x43: {  	_ =	shalt  }
0x44: {  	_ =	shalt  }
0x45: {  	_ =	shalt  }
0x46: {  	_ =	shalt  }
0x47: {  	_ =	shalt  }
0x48: {  	_ =	shalt  }
0x49: {  	_ =	shalt  }
0x4a: {  	_ =	shalt  }
0x4b: {  	_ =	shalt  }
0x4c: {  	_ =	shalt  }
0x4d: {  	_ =	shalt  }
0x4e: {  	_ =	shalt  }
0x4f: {  	_ =	shalt  }
0x50: {  	_ =	shalt  }
0x51: {  	_ =	shalt  }
0x52: {  	_ =	shalt  }
0x53: {  	_ =	shalt  }
0x54: {  	_ =	shalt  }
0x55: {  	_ =	shalt  }
0x56: {  	_ =	shalt  }
0x57: {  	_ =	shalt  }
0x58: {  	_ =	shalt  }
0x59: {  	_ =	shalt  }
0x5a: {  	_ =	shalt  }
0x5b: {  	_ =	shalt  }
0x5c: {  	_ =	shalt  }
0x5d: {  	_ =	shalt  }
0x5e: {  	_ =	shalt  }
0x5f: {  	_ =	shalt  }
0x60: {  	_ =	shalt  }
0x61: {  	_ =	shalt  }
0x62: {  	_ =	shalt  }
0x63: {  	_ =	shalt  }
0x64: {  	_ =	shalt  }
0x65: {  	_ =	shalt  }
0x66: {  	_ =	shalt  }
0x67: {  	_ =	shalt  }
0x68: {  	_ =	shalt  }
0x69: {  	_ =	shalt  }
0x6a: {  	_ =	shalt  }
0x6b: {  	_ =	shalt  }
0x6c: {  	_ =	shalt  }
0x6d: {  	_ =	shalt  }
0x6e: {  	_ =	shalt  }
0x6f: {  	_ =	shalt  }
0x70: {  	_ =	shalt  }
0x71: {  	_ =	shalt  }
0x72: {  	_ =	shalt  }
0x73: {  	_ =	shalt  }
0x74: {  	_ =	shalt  }
0x75: {  	_ =	shalt  }
0x76: {  	_ =	shalt  }
0x77: {  	_ =	shalt  }
0x78: {  	_ =	shalt  }
0x79: {  	_ =	shalt  }
0x7a: {  	_ =	shalt  }
0x7b: {  	_ =	shalt  }
0x7c: {  	_ =	shalt  }
0x7d: {  	_ =	shalt  }
0x7e: {  	_ =	shalt  }
0x7f: {  	_ =	shalt  }
0x80: {  	_ =	shalt  }
0x81: {  	_ =	shalt  }
0x82: {  	_ =	shalt  }
0x83: {  	_ =	shalt  }
0x84: {  	_ =	shalt  }
0x85: {  	_ =	shalt  }
0x86: {  	_ =	shalt  }
0x87: {  	_ =	shalt  }
.Lfunc_end0:
.L_simem_size_0:
called_computation.1_lowered:
.L_overlay_start_0:
0x88: {  	s2 =	sld [smem:$0x3FD9]  }
0x89: {  	s3 =	sld [smem:$0x3FFE];
	_ =	sdelay $0x1  }
0x8a: {  	s1 =	srdreg.scid  }
0x8b: {  	s0 =	sand.u32 $0x1, s1  }
0x8c: {  	s16 =	sshll.u32 s0, $0xA;
	s2 =	sadd.s32 s3, s2  }
0x8d: {  	s2 =	sadd.s32 s2, s16  }
0x8e: {  	[smem:$0x3FBF] =	sst s2  }
0x8f: {  	_ = 	snop  }
0x90: {  	(tm) =	ssettm $0x1  }
0x91: {  	s17 =	sld [smem:$0x3FFB];
	_ =	sdelay $0x3  }
0x92: {  	_ =	strace s17  }
0x93: {  	s2 =	sld [smem:$0x3FFC];
	_ =	sdelay $0x3  }
0x94: {  	_ =	strace s2  }
0x95: {  	s2 =	sld [smem:$0x3FFD];
	_ =	sdelay $0x3  }
0x96: {  	_ =	strace s2  }
0x97: {  	_ =	strace $0x8FFFFFFF  }
0x98: {  	s18 =	sld [smem:$0x3FDB];
	_ =	sdelay $0x1  }
0x99: {  	s19 =	simm.s32 $_scs_section_size  }
0x9a: {  	s4 =	simm.s32 $_size__tile_overlayer_lowered;
	s5 =	simm.s32 $_tile_overlayer_lowered  }
0x9b: {  	s22 =	simm.s32 $0x1BFF;
	s21 =	sshll.u32 s5, $0x1;
	s2 =	sadd.s32 s19, s18  }
0x9c: {  	s6 =	simm.s32 $0x0;
	s20 =	sshll.u32 s4, $0x1;
	s4 =	sadd.s32 s21, s2  }
0x9d: {  	[timem:s6], [sflag:s22] =	dma.local [hbm:s4], s20  }
0x9e: {  	_ =	swait.ge [sflag:s22], s20  }
0x9f: {  	s3 =	ssub.s32 $0x0, s20;
	[sflag:s22] =	ssyncset.done $0x0  }
0xa0: {  	[sflag:s22] =	ssyncadd.s32 s3;
	_ =	sdelay $0x1  }
0xa1: {  	s23 =	simm.s32 $0x1B8B  }
0xa2: {  	_ =	swait.ge [sflag:s23], $0x1  }
0xa3: {  	[sflag:s23] =	ssyncset.done $0x0  }
0xa4: {  	s25 =	simm.s32 $0x1B8E;
	s24 =	sld [smem:$0x3FFE];
	[sflag:s23] =	ssyncadd.s32 $0xFFFFFFFF  }
0xa5: {  	s26 =	simm.s32 $execute0_lowered;
	[smem:$0x3FD2] =	sst s25  }
0xa6: {  	s4 =	sshll.u32 s26, $0x1;
	_ =	strace $0x80000049;
	[dreg:$0x1] =	wrdreg $0xFFFFFFFF  }
0xa7: {  	s28 =	simm.s32 $_size_execute0_lowered;
	s2 =	sadd.s32 s2, s4;
	[dreg:$0x0] =	wrdreg $0x0  }
0xa8: {  	s4 =	sshll.u32 s28, $0x1;
	[dreg:$0x2] =	wrdreg s2  }
0xa9: {  	[dreg:$0x3] =	wrdreg s4  }
0xaa: {  	[dreg:$0x4] =	wrdreg $0xC0  }
0xab: {  	_ =	task [dreg:s6], $0x5FFFF  }
0xac: {  	[dreg:$0x1] =	wrdreg $0xFFFFFFFF  }
0xad: {  	[dreg:$0x0] =	wrdreg $0x60  }
0xae: {  	[dreg:$0x2] =	wrdreg s24  }
0xaf: {  	[dreg:$0x3] =	wrdreg $0x57800  }
0xb0: {  	[dreg:$0x4] =	wrdreg $0x9  }
0xb1: {  	_ =	task.clear_ibuf [dreg:s6], $0x5FFFF;
	_ =	strace $0x90000049  }
0xb2: {  	s29 =	simm.s32 $0x9;
	_ =	strace $0x8000004B  }
0xb3: {  	_ =	swait.ge [sflag:s29], $0x1  }
0xb4: {  	[sflag:s29] =	ssyncadd.s32 $0xFFFFFFFF  }
0xb5: {  	_ =	strace $0x9000004B  }
0xb6: {  	_ =	sfence  }
0xb7: {  	s30 =	sld [smem:$0x0];
	_ =	sdelay $0x2  }
0xb8: {  	s31 =	sshll.u32 s1, $0xD;
	s1 =	sshrl.u32 s1, $0x2  }
0xb9: {  	s3 =	sand.u32 $0x4000, s31;
	s1 =	sadd.s32 s1, s30  }
0xba: {  	s0 =	sor.u32 s3, s0;
	s1 =	sshll.u32 s1, $0x11  }
0xbb: {  	s0 =	sor.u32 s1, s0  }
0xbc: {  	s0 =	sadd.s32 $0x8F2B, s0  }
0xbd: {  	[sflag:s0] =	ssyncadd.remote.s32 $0x1  }
0xbe: {  	_ =	sfence.sel $0xFFFF  }
0xbf: {  	[dreg:$0x0] =	wrdreg $0xFFFFFFFF;
	(pc) =	sbr.abs _section_cstart, $3  }
0xc0: {  	[dreg:$0x1] =	wrdreg $0xFFFFFFFF  }
0xc1: {  	_ =	task.clear_ibuf [dreg:s6], $0x2FFFF;
	_ =	strace $0x9FFFFFFF  }
0xc2: {  	(tm) =	ssettm $0x7FFFFFFF  }
0xc3: {  	_ =	shalt  }
tec
execute0_lowered:
.L_overlay_start_1:
0x0: {  	(tag) =	ssettag $0x1  }
0x1: {  	s0 =	srdreg.scid;
	s1 =	rddreg [dreg:$0x0]  }
0x2: {  	s2 =	rddreg [dreg:$0x1];
	s13 =	stileid.u32;
	s3 =	simm.s32 $0x0  }
0x3: {  	s29 =	simm.s32 $0x32;
	s30 =	simm.s32 $0x19000;
	s28 =	simm.s32 $0x1C200  }
0x4: {  	s31 =	simm.s32 $0x5;
	s0 =	sand.u32 $0x1, s0;
	s10 =	smul.u32 $0x271, s13  }
0x5: {  	[smem:$0x7FF] =	sst s3;
	s7 =	sadd.s32 $0x49C00, s1;
	s17 =	smul.u32 $0x4E200, s13  }
0x6: {  	s20 =	smul.u32 $0x2710, s13;
	s21 =	sshll.u32 s13, $0x6;
	s4 =	sshll.u32 s0, $0x4  }
0x7: {  	_ =	strace $0x8000004A;
	s6 =	ssub.s32 $0x2, s0;
	s0 =	smul.u32 $0x138800, s0  }
0x8: {  	s4 =	sor.u32 s13, s4;
	s8 =	sshrl.u32 s6, $0x1;
	s19 =	sshrl.u32 s17, $0x2  }
0x9: {  	s11 =	sadd.s32 $0x7D, s10;
	s25 =	sadd.s32 $0xFA, s10;
	s13 =	smul.u32 $0x13880, s13  }
0xa: {  	s5 =	smul.u32 $0x578, s4;
	s4 =	sadd.s32 $0x22A00, s1;
	s6 =	ssub.s32 s6, s8  }
0xb: {  	s22 =	sshll.u32 s11, $0x7;
	s24 =	sshll.u32 s11, $0x4;
	s18 =	smax.u32 s6, $0x1  }
0xc: {  	s26 =	sshll.u32 s25, $0x7;
	s6 =	sadd.s32 s7, s20;
	[dreg:$0x5] =	wrdreg s18  }
0xd: {  	s11 =	sshll.u32 s25, $0x4;
	s23 =	sadd.s32 s22, s2;
	[dreg:$0x6] =	wrdreg s6  }
0xe: {  	s8 =	sadd.s32 s7, s24;
	s12 =	sadd.s32 s26, s2;
	[dreg:$0x7] =	wrdreg s23  }
0xf: {  	s11 =	sadd.s32 s7, s11;
	s17 =	sadd.s32 s0, s13;
	[dreg:$0x8] =	wrdreg s8  }
0x10: {  	s24 =	simm.s32 $0x1;
	s5 =	sadd.s32 s5, s1;
	[dreg:$0x9] =	wrdreg s12  }
0x11: {  	s1 =	sadd.s32 $0x70E00, s1;
	[dreg:$0xa] =	wrdreg s11;
	s12 =	sadd.s32 $0x177, s10  }
0x12: {  	s10 =	sadd.s32 $0x1F4, s10;
	s6 =	sadd.s32 s0, s22;
	s8 =	sadd.s32 s0, s26  }
0x13: {  	s9 =	sadd.s32 $0x17A00, s5;
	s5 =	sadd.s32 $0xCA00, s5;
	s15 =	sshll.u32 s12, $0x7  }
0x14: {  	s11 =	sshll.u32 s12, $0x4;
	s16 =	sshll.u32 s10, $0x4;
	s10 =	sshll.u32 s10, $0x7  }
0x15: {  	s6 =	sshrl.u32 s6, $0x3;
	s25 =	sshrl.u32 s8, $0x3;
	[dreg:$0x3] =	wrdreg s9  }
0x16: {  	s8 =	simm.s32 $0x7;
	s12 =	simm.s32 $0x0;
	[dreg:$0x4] =	wrdreg s5  }
0x17: {  	s5 =	sadd.s32 s19, s2;
	s9 =	sor.u32 $0x1C01, s21;
	s14 =	sadd.s32 s15, s2  }
0x18: {  	s11 =	sadd.s32 s7, s11;
	s7 =	sadd.s32 s7, s16;
	[dreg:$0xb] =	wrdreg s14  }
0x19: {  	s18 =	sadd.s32 s0, s15;
	s0 =	sadd.s32 s0, s10;
	[dreg:$0xc] =	wrdreg s11  }
0x1a: {  	s10 =	sadd.s32 s10, s2;
	s19 =	sadd.s32 s13, s2;
	[dreg:$0xd] =	wrdreg s7  }
0x1b: {  	s6 =	sadd.s32 s1, s6;
	s20 =	sadd.s32 s1, s25;
	[dreg:$0xe] =	wrdreg s10  }
0x1c: {  	s7 =	sshrl.u32 s17, $0x3;
	[dreg:$0x10] =	wrdreg s6;
	s26 =	sshrl.u32 s18, $0x3  }
0x1d: {  	s0 =	sshrl.u32 s0, $0x3;
	s23 =	sshrl.u32 s5, $0x3;
	s25 =	sshrl.u32 s19, $0x3  }
0x1e: {  	s5 =	simm.s32 $0x2;
	s6 =	simm.s32 $0x6;
	s10 =	simm.s32 $0x4  }
0x1f: {  	s11 =	simm.s32 $0x8;
	s7 =	sadd.s32 s1, s7;
	s21 =	sadd.s32 s1, s26  }
0x20: {  	s22 =	sadd.s32 s1, s0;
	s26 =	simm.s32 $0x9;
	s0 =	simm.s32 $0x1A900  }
0x21: {  	s1 =	simm.s32 $0x1DB00;
	[dreg:$0xf] =	wrdreg s7;
	s7 =	simm.s32 $0x3  }
.LBB2_1:
0x22: {  	s13 =	rddreg [dreg:$0x6]  }
0x23: {  	[spmem:s23], [sflag:s9] =	dma.local [hbm:s13], $0x7D0  }
0x24: {  	s13 =	rddreg [dreg:$0x7]  }
0x25: {  	s14 =	rddreg [dreg:$0x8];
	s13 =	sshrl.u32 s13, $0x3  }
0x26: {  	[spmem:s13], [sflag:s9] =	dma.local [hbm:s14], $0x7D0  }
0x27: {  	s14 =	rddreg [dreg:$0x9]  }
0x28: {  	s15 =	rddreg [dreg:$0xa];
	s14 =	sshrl.u32 s14, $0x3  }
0x29: {  	[spmem:s14], [sflag:s9] =	dma.local [hbm:s15], $0x7D0  }
0x2a: {  	s15 =	rddreg [dreg:$0xb]  }
0x2b: {  	s16 =	rddreg [dreg:$0xc];
	s15 =	sshrl.u32 s15, $0x3  }
0x2c: {  	[spmem:s15], [sflag:s9] =	dma.local [hbm:s16], $0x7D0  }
0x2d: {  	s16 =	rddreg [dreg:$0xe]  }
0x2e: {  	s17 =	rddreg [dreg:$0xd];
	s16 =	sshrl.u32 s16, $0x3  }
0x2f: {  	[spmem:s16], [sflag:s9] =	dma.local [hbm:s17], $0x7D0  }
0x30: {  	_ =	swait.ge [sflag:s24], $0x7D0  }
0x31: {  	[sflag:s24] =	ssyncset.done $0x0  }
0x32: {  	[sflag:s24] =	ssyncadd.s32 $0xFFFFF830  }
0x33: {  	_ =	swait.ge [sflag:s24], $0x7D0  }
0x34: {  	[sflag:s24] =	ssyncset.done $0x0  }
0x35: {  	[sflag:s24] =	ssyncadd.s32 $0xFFFFF830  }
0x36: {  	_ =	swait.ge [sflag:s24], $0x7D0  }
0x37: {  	[sflag:s24] =	ssyncset.done $0x0  }
0x38: {  	[sflag:s24] =	ssyncadd.s32 $0xFFFFF830  }
0x39: {  	_ =	swait.ge [sflag:s24], $0x7D0  }
0x3a: {  	[sflag:s24] =	ssyncset.done $0x0  }
0x3b: {  	[sflag:s24] =	ssyncadd.s32 $0xFFFFF830  }
0x3c: {  	_ =	swait.ge [sflag:s24], $0x7D0  }
0x3d: {  	[sflag:s24] =	ssyncset.done $0x0  }
0x3e: {  	s18 =	rddreg [dreg:$0x3];
	[sflag:s24] =	ssyncadd.s32 $0xFFFFF830  }
0x3f: {  	[tilespmem:s3], [sflag:$0x9] =	stream.linear.gather [hbm4b:s18+s3], $0x2BC0, $0x38;
	[tilespmem:$0x1F400] =	vst v63  }
0x40: {  	_ =	swait.ge [sflag:s26], $0x2BC0  }
0x41: {  	[sflag:s26] =	ssyncset.done $0x0  }
0x42: {  	s18 =	simm.s32 $0x2BC0;
	s19 =	rddreg [dreg:$0x4];
	[sflag:s26] =	ssyncadd.s32 $0xFFFFD440  }
0x43: {  	[tilespmem:s18], [sflag:$0x9] =	stream.linear.gather [hbm4b:s19+s3], $0x2BC0, $0x38;
	[tilespmem:$0x1F400] =	vst v63  }
0x44: {  	_ =	swait.ge [sflag:s26], $0x2BC0  }
0x45: {  	[sflag:s26] =	ssyncset.done $0x0  }
0x46: {  	[sflag:s26] =	ssyncadd.s32 $0xFFFFD440  }
0x47: {  	[bflag:$0x0] =	sbarrier.arrive $0xFFFF  }
0x48: {  	[tilespmem:s30], [sflag:$0x1] =	stream.indirect.gather [hbm4b:s4+s29], $0x80, s3, s29, $0xb8;
	[tilespmem:$0x1F400] =	vst v63  }
0x49: {  	s18 =	simm.s32 $0x38  }
0x4a: {  	[tilespmem:s0], [sflag:$0x2] =	stream.indirect.gather [hbm4b:s4+s29], $0x80, s18, s29, $0xb8;
	[tilespmem:$0x1F400] =	vst v63  }
0x4b: {  	s19 =	simm.s32 $0x70  }
0x4c: {  	[tilespmem:s28], [sflag:$0x3] =	stream.indirect.gather [hbm4b:s4+s29], $0x80, s19, s29, $0xb8;
	[tilespmem:$0x1F400] =	vst v63  }
0x4d: {  	s18 =	simm.s32 $0xA8  }
0x4e: {  	[tilespmem:s1], [sflag:$0x4] =	stream.indirect.gather [hbm4b:s4+s29], $0x80, s18, s29, $0xb8;
	[tilespmem:$0x1F400] =	vst v63  }
0x4f: {  	_ =	swait.ge [sflag:s24], $0x1900  }
0x50: {  	[sflag:s24] =	ssyncset.done $0x0  }
0x51: {  	s19 =	simm.s32 $0x2BC0;
	[sflag:s24] =	ssyncadd.s32 $0xFFFFE700  }
0x52: {  	[spmem:s2] =	stream.indirect.scatter.add.f32 [tilespmem:s30], [sflag:$0x5], $0x80, s19, s29, $0xb8;
	[tilespmem:$0x1F400] =	vst v63  }
0x53: {  	_ =	swait.ge [sflag:s31], $0x1900  }
0x54: {  	[sflag:s31] =	ssyncset.done $0x0  }
0x55: {  	s18 =	simm.s32 $0xE0;
	[sflag:s31] =	ssyncadd.s32 $0xFFFFE700  }
0x56: {  	[tilespmem:s30], [sflag:$0x1] =	stream.indirect.gather [hbm4b:s4+s29], $0x80, s18, s29, $0xb8;
	[tilespmem:$0x1F400] =	vst v63  }
0x57: {  	_ =	swait.ge [sflag:s5], $0x1900  }
0x58: {  	[sflag:s5] =	ssyncset.done $0x0  }
0x59: {  	s19 =	simm.s32 $0x2BF8;
	[sflag:s5] =	ssyncadd.s32 $0xFFFFE700  }
0x5a: {  	[spmem:s2] =	stream.indirect.scatter.add.f32 [tilespmem:s0], [sflag:$0x6], $0x80, s19, s29, $0xb8;
	[tilespmem:$0x1F400] =	vst v63  }
0x5b: {  	_ =	swait.ge [sflag:s6], $0x1900  }
0x5c: {  	[sflag:s6] =	ssyncset.done $0x0  }
0x5d: {  	s18 =	simm.s32 $0x118;
	[sflag:s6] =	ssyncadd.s32 $0xFFFFE700  }
0x5e: {  	[tilespmem:s0], [sflag:$0x2] =	stream.indirect.gather [hbm4b:s4+s29], $0x80, s18, s29, $0xb8;
	[tilespmem:$0x1F400] =	vst v63  }
0x5f: {  	_ =	swait.ge [sflag:s7], $0x1900  }
0x60: {  	[sflag:s7] =	ssyncset.done $0x0  }
0x61: {  	s19 =	simm.s32 $0x2C30;
	[sflag:s7] =	ssyncadd.s32 $0xFFFFE700  }
0x62: {  	[spmem:s2] =	stream.indirect.scatter.add.f32 [tilespmem:s28], [sflag:$0x7], $0x80, s19, s29, $0xb8;
	[tilespmem:$0x1F400] =	vst v63  }
0x63: {  	_ =	swait.ge [sflag:s8], $0x1900  }
0x64: {  	[sflag:s8] =	ssyncset.done $0x0  }
0x65: {  	s18 =	simm.s32 $0x150;
	[sflag:s8] =	ssyncadd.s32 $0xFFFFE700  }
0x66: {  	[tilespmem:s28], [sflag:$0x3] =	stream.indirect.gather [hbm4b:s4+s29], $0x80, s18, s29, $0xb8;
	[tilespmem:$0x1F400] =	vst v63  }
0x67: {  	_ =	swait.ge [sflag:s10], $0x1900  }
0x68: {  	[sflag:s10] =	ssyncset.done $0x0  }
0x69: {  	s19 =	simm.s32 $0x2C68;
	[sflag:s10] =	ssyncadd.s32 $0xFFFFE700  }
0x6a: {  	[spmem:s2] =	stream.indirect.scatter.add.f32 [tilespmem:s1], [sflag:$0x8], $0x80, s19, s29, $0xb8;
	[tilespmem:$0x1F400] =	vst v63  }
0x6b: {  	_ =	swait.ge [sflag:s11], $0x1900  }
0x6c: {  	[sflag:s11] =	ssyncset.done $0x0  }
0x6d: {  	s17 =	simm.s32 $0x380;
	s18 =	simm.s32 $0x188;
	[sflag:s11] =	ssyncadd.s32 $0xFFFFE700  }
.LBB2_2:
0x6e: {  	[tilespmem:s1], [sflag:$0x4] =	stream.indirect.gather [hbm4b:s4+s29], $0x80, s18, s29, $0xb8;
	[tilespmem:$0x1F400] =	vst v63  }
0x6f: {  	s18 =	smov.u32 s17  }
0x70: {  	p0 =	sne.s32 s17, $0xA800;
	s17 =	sadd.s32 $0x380, s17;
	_ =	swait.ge [sflag:s24], $0x1900  }
0x71: {  	s18 =	sshra.s32 s18, $0x2;
	[sflag:s24] =	ssyncset.done $0x0  }
0x72: {  	s19 =	sadd.s32 $0x2BC0, s18;
	[sflag:s24] =	ssyncadd.s32 $0xFFFFE700  }
0x73: {  	[spmem:s2] =	stream.indirect.scatter.add.f32 [tilespmem:s30], [sflag:$0x5], $0x80, s19, s29, $0xb8;
	[tilespmem:$0x1F400] =	vst v63  }
0x74: {  	_ =	swait.ge [sflag:s31], $0x1900  }
0x75: {  	[sflag:s31] =	ssyncset.done $0x0  }
0x76: {  	s19 =	sadd.s32 $0xE0, s18;
	[sflag:s31] =	ssyncadd.s32 $0xFFFFE700  }
0x77: {  	[tilespmem:s30], [sflag:$0x1] =	stream.indirect.gather [hbm4b:s4+s29], $0x80, s19, s29, $0xb8;
	[tilespmem:$0x1F400] =	vst v63  }
0x78: {  	_ =	swait.ge [sflag:s5], $0x1900  }
0x79: {  	[sflag:s5] =	ssyncset.done $0x0  }
0x7a: {  	s19 =	sadd.s32 $0x2BF8, s18;
	[sflag:s5] =	ssyncadd.s32 $0xFFFFE700  }
0x7b: {  	[spmem:s2] =	stream.indirect.scatter.add.f32 [tilespmem:s0], [sflag:$0x6], $0x80, s19, s29, $0xb8;
	[tilespmem:$0x1F400] =	vst v63  }
0x7c: {  	_ =	swait.ge [sflag:s6], $0x1900  }
0x7d: {  	[sflag:s6] =	ssyncset.done $0x0  }
0x7e: {  	s19 =	sadd.s32 $0x118, s18;
	[sflag:s6] =	ssyncadd.s32 $0xFFFFE700  }
0x7f: {  	[tilespmem:s0], [sflag:$0x2] =	stream.indirect.gather [hbm4b:s4+s29], $0x80, s19, s29, $0xb8;
	[tilespmem:$0x1F400] =	vst v63  }
0x80: {  	_ =	swait.ge [sflag:s7], $0x1900  }
0x81: {  	[sflag:s7] =	ssyncset.done $0x0  }
0x82: {  	s19 =	sadd.s32 $0x2C30, s18;
	[sflag:s7] =	ssyncadd.s32 $0xFFFFE700  }
0x83: {  	[spmem:s2] =	stream.indirect.scatter.add.f32 [tilespmem:s28], [sflag:$0x7], $0x80, s19, s29, $0xb8;
	[tilespmem:$0x1F400] =	vst v63  }
0x84: {  	_ =	swait.ge [sflag:s8], $0x1900  }
0x85: {  	[sflag:s8] =	ssyncset.done $0x0  }
0x86: {  	s19 =	sadd.s32 $0x150, s18;
	[sflag:s8] =	ssyncadd.s32 $0xFFFFE700  }
0x87: {  	[tilespmem:s28], [sflag:$0x3] =	stream.indirect.gather [hbm4b:s4+s29], $0x80, s19, s29, $0xb8;
	[tilespmem:$0x1F400] =	vst v63  }
0x88: {  	_ =	swait.ge [sflag:s10], $0x1900  }
0x89: {  	[sflag:s10] =	ssyncset.done $0x0  }
.Ltmp0:
0x8a: {  	s19 =	sadd.s32 $0x2C68, s18;
	[sflag:s10] =	ssyncadd.s32 $0xFFFFE700;
	(pc) =	sbr.rel @p0 .LBB2_2-.Ltmp0, $4  }
0x8b: {  	[spmem:s2] =	stream.indirect.scatter.add.f32 [tilespmem:s1], [sflag:$0x8], $0x80, s19, s29, $0xb8;
	[tilespmem:$0x1F400] =	vst v63  }
0x8c: {  	_ =	swait.ge [sflag:s11], $0x1900  }
0x8d: {  	[sflag:s11] =	ssyncset.done $0x0  }
0x8e: {  	s18 =	sadd.s32 $0x188, s18;
	[sflag:s11] =	ssyncadd.s32 $0xFFFFE700  }
0x8f: {  	[tilespmem:s1], [sflag:$0x4] =	stream.indirect.gather [hbm4b:s4+s29], $0x80, s18, s29, $0xb8;
	[tilespmem:$0x1F400] =	vst v63  }
0x90: {  	_ =	swait.ge [sflag:s24], $0x1900  }
0x91: {  	[sflag:s24] =	ssyncset.done $0x0  }
0x92: {  	s17 =	simm.s32 $0x56A0;
	[sflag:s24] =	ssyncadd.s32 $0xFFFFE700  }
0x93: {  	[spmem:s2] =	stream.indirect.scatter.add.f32 [tilespmem:s30], [sflag:$0x5], $0x80, s17, s29, $0xb8;
	[tilespmem:$0x1F400] =	vst v63  }
0x94: {  	_ =	swait.ge [sflag:s31], $0x1900  }
0x95: {  	[sflag:s31] =	ssyncset.done $0x0  }
0x96: {  	[sflag:s31] =	ssyncadd.s32 $0xFFFFE700  }
0x97: {  	_ =	swait.ge [sflag:s5], $0x1900  }
0x98: {  	[sflag:s5] =	ssyncset.done $0x0  }
0x99: {  	s19 =	simm.s32 $0x56D8;
	[sflag:s5] =	ssyncadd.s32 $0xFFFFE700  }
0x9a: {  	[spmem:s2] =	stream.indirect.scatter.add.f32 [tilespmem:s0], [sflag:$0x6], $0x80, s19, s29, $0xb8;
	[tilespmem:$0x1F400] =	vst v63  }
0x9b: {  	_ =	swait.ge [sflag:s6], $0x1900  }
0x9c: {  	[sflag:s6] =	ssyncset.done $0x0  }
0x9d: {  	[sflag:s6] =	ssyncadd.s32 $0xFFFFE700  }
0x9e: {  	_ =	swait.ge [sflag:s7], $0x1900  }
0x9f: {  	[sflag:s7] =	ssyncset.done $0x0  }
0xa0: {  	s18 =	simm.s32 $0x5710;
	[sflag:s7] =	ssyncadd.s32 $0xFFFFE700  }
0xa1: {  	[spmem:s2] =	stream.indirect.scatter.add.f32 [tilespmem:s28], [sflag:$0x7], $0x80, s18, s29, $0xb8;
	[tilespmem:$0x1F400] =	vst v63  }
0xa2: {  	_ =	swait.ge [sflag:s8], $0x1900  }
0xa3: {  	[sflag:s8] =	ssyncset.done $0x0  }
0xa4: {  	[sflag:s8] =	ssyncadd.s32 $0xFFFFE700  }
0xa5: {  	_ =	swait.ge [sflag:s10], $0x1900  }
0xa6: {  	[sflag:s10] =	ssyncset.done $0x0  }
0xa7: {  	s19 =	simm.s32 $0x5748;
	[sflag:s10] =	ssyncadd.s32 $0xFFFFE700  }
0xa8: {  	[spmem:s2] =	stream.indirect.scatter.add.f32 [tilespmem:s1], [sflag:$0x8], $0x80, s19, s29, $0xb8;
	[tilespmem:$0x1F400] =	vst v63  }
0xa9: {  	_ =	swait.ge [sflag:s11], $0x1900  }
0xaa: {  	[sflag:s11] =	ssyncset.done $0x0  }
0xab: {  	[sflag:s11] =	ssyncadd.s32 $0xFFFFE700  }
0xac: {  	[bflag:$0x0] =	sbarrier.arrive $0xFFFF  }
0xad: {  	s18 =	rddreg [dreg:$0xf]  }
0xae: {  	[hbm:s18], [sflag:s9] =	dma.local [spmem:s25], $0x7D0  }
0xaf: {  	s17 =	rddreg [dreg:$0x10]  }
0xb0: {  	[hbm:s17], [sflag:s9] =	dma.local [spmem:s13], $0x7D0  }
0xb1: {  	[hbm:s20], [sflag:s9] =	dma.local [spmem:s14], $0x7D0  }
0xb2: {  	[hbm:s21], [sflag:s9] =	dma.local [spmem:s15], $0x7D0  }
0xb3: {  	[hbm:s22], [sflag:s9] =	dma.local [spmem:s16], $0x7D0  }
0xb4: {  	_ =	swait.ge [sflag:s24], $0x7D0  }
0xb5: {  	[sflag:s24] =	ssyncset.done $0x0  }
0xb6: {  	[sflag:s24] =	ssyncadd.s32 $0xFFFFF830  }
0xb7: {  	_ =	swait.ge [sflag:s24], $0x7D0  }
0xb8: {  	[sflag:s24] =	ssyncset.done $0x0  }
0xb9: {  	[sflag:s24] =	ssyncadd.s32 $0xFFFFF830  }
0xba: {  	_ =	swait.ge [sflag:s24], $0x7D0  }
0xbb: {  	[sflag:s24] =	ssyncset.done $0x0  }
0xbc: {  	[sflag:s24] =	ssyncadd.s32 $0xFFFFF830  }
0xbd: {  	_ =	swait.ge [sflag:s24], $0x7D0  }
0xbe: {  	[sflag:s24] =	ssyncset.done $0x0  }
0xbf: {  	[sflag:s24] =	ssyncadd.s32 $0xFFFFF830  }
0xc0: {  	_ =	swait.ge [sflag:s24], $0x7D0  }
0xc1: {  	s12 =	sadd.s32 $0x1, s12;
	s19 =	rddreg [dreg:$0x5]  }
0xc2: {  	p0 =	sne.s32 s12, s19  }
.Ltmp1:
0xc3: {  	_ = 	snop;
	(pc) =	sbr.rel @p0 .LBB2_1-.Ltmp1, $3  }
0xc4: {  	_ =	sdelay $0x1  }
0xc5: {  	[sflag:s24] =	ssyncset.done $0x0  }
0xc6: {  	[sflag:s24] =	ssyncadd.s32 $0xFFFFF830  }
0xc7: {  	_ =	sfence.sel $0x180000  }
0xc8: {  	[bflag:$0x0] =	sbarrier.arrive $0xFFFF  }
0xc9: {  	_ =	strace $0x9000004A  }
0xca: {  	s0 =	stileid.u32;
	[bflag:$0x2] =	sbarrier.arrive $0xFFFF  }
0xcb: {  	p0 =	sne.s32 s0, $0x0;
	s0 =	rddreg [dreg:$0x2]  }
0xcc: {  	s0 =	sadd.s32 @!p0 $0x100000, s0  }
0xcd: {  	[sflag:s0] =	ssyncadd.tile.s32 @!p0 $0x1;
	_ =	shalt  }
.Lfunc_end2:
_tile_overlayer_lowered:
.L_overlay_start_2:
0xce: {  	(tag) =	ssettag $0x2  }
0xcf: {  	s0 =	rddreg [dreg:$0x0];
	s2 =	stileid.u32  }
0xd0: {  	s1 =	rddreg [dreg:$0x1];
	p0 =	sne.s32 s2, $0x0  }
0xd1: {  	s3 =	rddreg [dreg:$0x2];
	[bflag:$0x3] =	sbarrier.arrive $0xFFFF;
	s2 =	simm.s32 @!p0 $0x1C09  }
0xd2: {  	[timem:s3], [sflag:s2] =	dma.local @!p0 [hbm:s0], s1  }
0xd3: {  	s0 =	simm.s32 @!p0 $0x9  }
0xd4: {  	_ =	swait.ge @!p0 [sflag:s0], s1  }
0xd5: {  	s1 =	ssub.s32 @!p0 $0x0, s1;
	[sflag:s0] =	ssyncset.done @!p0 $0x0  }
0xd6: {  	[sflag:s0] =	ssyncadd.s32 @!p0 s1  }
0xd7: {  	[bflag:$0x3] =	sbarrier.arrive $0xFFFF  }
0xd8: {  	_ =	shalt  }

// kernel: kernel.14.cloned.1.call-start
scs
__scs_entry_jumppad:
0x0: {  	(pc) =	sbr.rel $0x88, $3  }
0x1: {  	(tag) =	ssettag $0x0;
	lr =	simm.s32 $0x1  }
0x2: {  	[smem:$0x3F98] =	sst lr;
	_ =	strace $0xD0000000  }
0x3: {  	_ = 	snop  }
0x4: {  	_ = 	snop  }
0x5: {  	_ = 	snop  }
0x6: {  	_ = 	snop  }
0x7: {  	_ = 	snop  }
__scs_overlays_trampoline_lowered:
0x8: {  	[smem:$0x3FA7] =	sst s0  }
0x9: {  	[smem:$0x3FA8] =	sst s1  }
0xa: {  	[smem:$0x3FA9] =	sst s2  }
0xb: {  	[smem:$0x3FAA] =	sst s3  }
0xc: {  	[smem:$0x3FAB] =	sst s4  }
0xd: {  	[smem:$0x3FAC] =	sst s5  }
0xe: {  	[smem:$0x3FAD] =	sst s6  }
0xf: {  	[smem:$0x3FAE] =	sst s7  }
0x10: {  	[smem:$0x3FAF] =	sst s8  }
0x11: {  	[smem:$0x3FB0] =	sst s9;
	s0 =	simm.s32 @!p0 $0x0  }
0x12: {  	s1 =	sld [smem:$0x3F96];
	s0 =	simm.s32 @p0 $0x1  }
0x13: {  	[smem:$0x3FB1] =	sst s0;
	s0 =	simm.s32 @!p1 $0x0  }
0x14: {  	s2 =	sld [smem:$0x3F95];
	s0 =	simm.s32 @p1 $0x1  }
0x15: {  	[smem:$0x3FB2] =	sst s0;
	s0 =	simm.s32 @!p2 $0x0  }
0x16: {  	s3 =	sld [smem:$0x3FDB];
	s0 =	simm.s32 @p2 $0x1  }
0x17: {  	s4 =	simm.s32 $0x1BF5;
	[smem:$0x3FB4] =	sst s0  }
0x18: {  	s0 =	sld [smem:$0x3F97];
	_ =	swait.ge [sflag:s4], $0x0  }
0x19: {  	s7 =	sld [smem:$0x3F98]  }
0x1a: {  	s8 =	sadd.s32 $0xFFFFE003, lr  }
0x1b: {  	s9 =	sadd.s32 $0xFFFFFEF7, lr;
	s5 =	simm.s32 $0xFFFFFFFF;
	p2 =	slt.u32 s8, $0xFFFFF086  }
0x1c: {  	p1 =	slt.u32 s9, $0xF7A;
	s5 =	simm.s32 @!p2 $0x0  }
0x1d: {  	s5 =	simm.s32 @p1 $0x1;
	p0 =	seq.s32 s7, s2  }
0x1e: {  	s7 =	smul.u32 @!p0 $0xF7A, s2;
	p2 =	seq.s32 @!p0 s5, $0x0  }
0x1f: {  	s9 =	smul.u32 $0xF7A, s1;
	s8 =	simm.s32 @!p0 $0x1BF5;
	p2 =	por !p2, p0  }
0x20: {  	[sflag:s8] =	ssyncset.s32 @!p0 $0xFFFFF086;
	s6 =	sadd.s32 @!p0 s3, s7;
	s7 =	simm.s32 @!p0 $0x108  }
0x21: {  	s3 =	sadd.s32 s3, s9;
	s6 =	sadd.s32 @!p0 $0x88, s6;
	s7 =	simm.s32 @p2 $0x1082  }
0x22: {  	[simem:s7], [sflag:s8] =	dma.local @!p0 [hbm:s6], $0xF7A  }
0x23: {  	s9 =	sor.u32 $0xD0000000, s2;
	s6 =	simm.s32 $0x108;
	_ =	swait.ge @!p0 [sflag:s8], $0x0  }
0x24: {  	s3 =	sadd.s32 $0x88, s3;
	s6 =	simm.s32 @!p1 $0x1082;
	[sflag:s4] =	ssyncset.s32 $0xFFFFF086  }
0x25: {  	[simem:s6], [sflag:s4] =	dma.local [hbm:s3], $0xF7A  }
0x26: {  	[smem:$0x3F98] =	sst s1;
	(tag) =	ssettag s2;
	_ =	strace s9  }
0x27: {  	s1 =	sld [smem:$0x3FA8]  }
0x28: {  	s2 =	sld [smem:$0x3FA9]  }
0x29: {  	s4 =	sld [smem:$0x3FAB]  }
0x2a: {  	p0 =	seq.s32 s5, $0x0;
	s5 =	sld [smem:$0x3FAC]  }
0x2b: {  	s6 =	sld [smem:$0x3FAD]  }
0x2c: {  	s7 =	sld [smem:$0x3FAE]  }
0x2d: {  	s3 =	simm.s32 $0x108;
	s8 =	sld [smem:$0x3FAF]  }
0x2e: {  	s3 =	simm.s32 @!p0 $0x1082;
	s9 =	sld [smem:$0x3FB0]  }
0x2f: {  	lr =	sadd.s32 s0, s3;
	s0 =	sld [smem:$0x3FA7]  }
0x30: {  	s3 =	sld [smem:$0x3FAA]  }
0x31: {  	[smem:$0x3FB3] =	sst s10  }
0x32: {  	s10 =	sld [smem:$0x3FB1];
	_ =	sdelay $0x3  }
0x33: {  	p0 =	seq.s32 s10, $0x1;
	s10 =	sld [smem:$0x3FB3];
	_ =	sdelay $0x3  }
0x34: {  	[smem:$0x3FB3] =	sst s10  }
0x35: {  	s10 =	sld [smem:$0x3FB2];
	_ =	sdelay $0x3  }
0x36: {  	p1 =	seq.s32 s10, $0x1;
	s10 =	sld [smem:$0x3FB3];
	_ =	sdelay $0x3  }
0x37: {  	[smem:$0x3FB3] =	sst s10  }
0x38: {  	s10 =	sld [smem:$0x3FB4]  }
0x39: {  	_ = 	snop;
	(pc) =	sbr.ind lr, $3  }
0x3a: {  	_ = 	snop  }
0x3b: {  	_ = 	snop  }
0x3c: {  	p2 =	seq.s32 s10, $0x1;
	s10 =	sld [smem:$0x3FB3]  }
0x3d: {  	_ =	shalt  }
0x3e: {  	_ =	shalt  }
0x3f: {  	_ =	shalt  }
0x40: {  	_ =	shalt  }
0x41: {  	_ =	shalt  }
0x42: {  	_ =	shalt  }
0x43: {  	_ =	shalt  }
0x44: {  	_ =	shalt  }
0x45: {  	_ =	shalt  }
0x46: {  	_ =	shalt  }
0x47: {  	_ =	shalt  }
0x48: {  	_ =	shalt  }
0x49: {  	_ =	shalt  }
0x4a: {  	_ =	shalt  }
0x4b: {  	_ =	shalt  }
0x4c: {  	_ =	shalt  }
0x4d: {  	_ =	shalt  }
0x4e: {  	_ =	shalt  }
0x4f: {  	_ =	shalt  }
0x50: {  	_ =	shalt  }
0x51: {  	_ =	shalt  }
0x52: {  	_ =	shalt  }
0x53: {  	_ =	shalt  }
0x54: {  	_ =	shalt  }
0x55: {  	_ =	shalt  }
0x56: {  	_ =	shalt  }
0x57: {  	_ =	shalt  }
0x58: {  	_ =	shalt  }
0x59: {  	_ =	shalt  }
0x5a: {  	_ =	shalt  }
0x5b: {  	_ =	shalt  }
0x5c: {  	_ =	shalt  }
0x5d: {  	_ =	shalt  }
0x5e: {  	_ =	shalt  }
0x5f: {  	_ =	shalt  }
0x60: {  	_ =	shalt  }
0x61: {  	_ =	shalt  }
0x62: {  	_ =	shalt  }
0x63: {  	_ =	shalt  }
0x64: {  	_ =	shalt  }
0x65: {  	_ =	shalt  }
0x66: {  	_ =	shalt  }
0x67: {  	_ =	shalt  }
0x68: {  	_ =	shalt  }
0x69: {  	_ =	shalt  }
0x6a: {  	_ =	shalt  }
0x6b: {  	_ =	shalt  }
0x6c: {  	_ =	shalt  }
0x6d: {  	_ =	shalt  }
0x6e: {  	_ =	shalt  }
0x6f: {  	_ =	shalt  }
0x70: {  	_ =	shalt  }
0x71: {  	_ =	shalt  }
0x72: {  	_ =	shalt  }
0x73: {  	_ =	shalt  }
0x74: {  	_ =	shalt  }
0x75: {  	_ =	shalt  }
0x76: {  	_ =	shalt  }
0x77: {  	_ =	shalt  }
0x78: {  	_ =	shalt  }
0x79: {  	_ =	shalt  }
0x7a: {  	_ =	shalt  }
0x7b: {  	_ =	shalt  }
0x7c: {  	_ =	shalt  }
0x7d: {  	_ =	shalt  }
0x7e: {  	_ =	shalt  }
0x7f: {  	_ =	shalt  }
0x80: {  	_ =	shalt  }
0x81: {  	_ =	shalt  }
0x82: {  	_ =	shalt  }
0x83: {  	_ =	shalt  }
0x84: {  	_ =	shalt  }
0x85: {  	_ =	shalt  }
0x86: {  	_ =	shalt  }
0x87: {  	_ =	shalt  }
.Lfunc_end0:
.L_simem_size_0:
called_computation.2_lowered:
.L_overlay_start_0:
0x88: {  	s2 =	sld [smem:$0x3FD9]  }
0x89: {  	s3 =	sld [smem:$0x3FFE];
	_ =	sdelay $0x1  }
0x8a: {  	s1 =	srdreg.scid  }
0x8b: {  	s0 =	sand.u32 $0x1, s1  }
0x8c: {  	s16 =	sshll.u32 s0, $0xA;
	s2 =	sadd.s32 s3, s2  }
0x8d: {  	s2 =	sadd.s32 s2, s16  }
0x8e: {  	[smem:$0x3FBF] =	sst s2  }
0x8f: {  	_ = 	snop  }
0x90: {  	(tm) =	ssettm $0x1  }
0x91: {  	s17 =	sld [smem:$0x3FFB];
	_ =	sdelay $0x3  }
0x92: {  	_ =	strace s17  }
0x93: {  	s2 =	sld [smem:$0x3FFC];
	_ =	sdelay $0x3  }
0x94: {  	_ =	strace s2  }
0x95: {  	s2 =	sld [smem:$0x3FFD];
	_ =	sdelay $0x3  }
0x96: {  	_ =	strace s2  }
0x97: {  	_ =	strace $0x8FFFFFFF  }
0x98: {  	s18 =	sld [smem:$0x3FDB];
	_ =	sdelay $0x1  }
0x99: {  	s19 =	simm.s32 $_scs_section_size  }
0x9a: {  	s4 =	simm.s32 $_size__tile_overlayer_lowered;
	s5 =	simm.s32 $_tile_overlayer_lowered  }
0x9b: {  	s22 =	simm.s32 $0x1BFF;
	s21 =	sshll.u32 s5, $0x1;
	s2 =	sadd.s32 s19, s18  }
0x9c: {  	s6 =	simm.s32 $0x0;
	s20 =	sshll.u32 s4, $0x1;
	s4 =	sadd.s32 s21, s2  }
0x9d: {  	[timem:s6], [sflag:s22] =	dma.local [hbm:s4], s20  }
0x9e: {  	_ =	swait.ge [sflag:s22], s20  }
0x9f: {  	s3 =	ssub.s32 $0x0, s20;
	[sflag:s22] =	ssyncset.done $0x0  }
0xa0: {  	[sflag:s22] =	ssyncadd.s32 s3;
	_ =	sdelay $0x1  }
0xa1: {  	s23 =	simm.s32 $0x1B8B  }
0xa2: {  	_ =	swait.ge [sflag:s23], $0x1  }
0xa3: {  	[sflag:s23] =	ssyncset.done $0x0  }
0xa4: {  	s25 =	simm.s32 $0x1B8E;
	s24 =	sld [smem:$0x3FFE];
	[sflag:s23] =	ssyncadd.s32 $0xFFFFFFFF  }
0xa5: {  	s26 =	simm.s32 $execute0_lowered;
	[smem:$0x3FD2] =	sst s25  }
0xa6: {  	s4 =	sshll.u32 s26, $0x1;
	_ =	strace $0x8000004C;
	[dreg:$0x1] =	wrdreg $0xFFFFFFFF  }
0xa7: {  	s28 =	simm.s32 $_size_execute0_lowered;
	s2 =	sadd.s32 s2, s4;
	[dreg:$0x0] =	wrdreg $0x0  }
0xa8: {  	s4 =	sshll.u32 s28, $0x1;
	[dreg:$0x2] =	wrdreg s2  }
0xa9: {  	[dreg:$0x3] =	wrdreg s4  }
0xaa: {  	[dreg:$0x4] =	wrdreg $0xC0  }
0xab: {  	_ =	task [dreg:s6], $0x5FFFF  }
0xac: {  	[dreg:$0x1] =	wrdreg $0xFFFFFFFF  }
0xad: {  	[dreg:$0x0] =	wrdreg $0x60  }
0xae: {  	[dreg:$0x2] =	wrdreg s24  }
0xaf: {  	[dreg:$0x3] =	wrdreg $0x57800  }
0xb0: {  	[dreg:$0x4] =	wrdreg $0x9  }
0xb1: {  	_ =	task.clear_ibuf [dreg:s6], $0x5FFFF;
	_ =	strace $0x9000004C  }
0xb2: {  	s29 =	simm.s32 $0x9;
	_ =	strace $0x8000004E  }
0xb3: {  	_ =	swait.ge [sflag:s29], $0x1  }
0xb4: {  	[sflag:s29] =	ssyncadd.s32 $0xFFFFFFFF  }
0xb5: {  	_ =	strace $0x9000004E  }
0xb6: {  	_ =	sfence  }
0xb7: {  	s30 =	sld [smem:$0x0];
	_ =	sdelay $0x2  }
0xb8: {  	s31 =	sshll.u32 s1, $0xD;
	s1 =	sshrl.u32 s1, $0x2  }
0xb9: {  	s3 =	sand.u32 $0x4000, s31;
	s1 =	sadd.s32 s1, s30  }
0xba: {  	s0 =	sor.u32 s3, s0;
	s1 =	sshll.u32 s1, $0x11  }
0xbb: {  	s0 =	sor.u32 s1, s0  }
0xbc: {  	s0 =	sadd.s32 $0x8F2B, s0  }
0xbd: {  	[sflag:s0] =	ssyncadd.remote.s32 $0x1  }
0xbe: {  	_ =	sfence.sel $0xFFFF  }
0xbf: {  	[dreg:$0x0] =	wrdreg $0xFFFFFFFF;
	(pc) =	sbr.abs _section_cstart, $3  }
0xc0: {  	[dreg:$0x1] =	wrdreg $0xFFFFFFFF  }
0xc1: {  	_ =	task.clear_ibuf [dreg:s6], $0x2FFFF;
	_ =	strace $0x9FFFFFFF  }
0xc2: {  	(tm) =	ssettm $0x7FFFFFFF  }
0xc3: {  	_ =	shalt  }
tec
execute0_lowered:
.L_overlay_start_1:
0x0: {  	(tag) =	ssettag $0x1  }
0x1: {  	s0 =	srdreg.scid;
	s1 =	rddreg [dreg:$0x0]  }
0x2: {  	s2 =	rddreg [dreg:$0x1];
	s13 =	stileid.u32;
	s3 =	simm.s32 $0x0  }
0x3: {  	s29 =	simm.s32 $0x32;
	s30 =	simm.s32 $0x19000;
	s28 =	simm.s32 $0x1C200  }
0x4: {  	s31 =	simm.s32 $0x5;
	s0 =	sand.u32 $0x1, s0;
	s10 =	smul.u32 $0x271, s13  }
0x5: {  	[smem:$0x7FF] =	sst s3;
	s7 =	sadd.s32 $0x49C00, s1;
	s17 =	smul.u32 $0x4E200, s13  }
0x6: {  	s20 =	smul.u32 $0x2710, s13;
	s21 =	sshll.u32 s13, $0x6;
	s4 =	sshll.u32 s0, $0x4  }
0x7: {  	_ =	strace $0x8000004D;
	s6 =	ssub.s32 $0x2, s0;
	s0 =	smul.u32 $0x138800, s0  }
0x8: {  	s4 =	sor.u32 s13, s4;
	s8 =	sshrl.u32 s6, $0x1;
	s19 =	sshrl.u32 s17, $0x2  }
0x9: {  	s11 =	sadd.s32 $0x7D, s10;
	s25 =	sadd.s32 $0xFA, s10;
	s13 =	smul.u32 $0x13880, s13  }
0xa: {  	s5 =	smul.u32 $0x578, s4;
	s4 =	sadd.s32 $0x22A00, s1;
	s6 =	ssub.s32 s6, s8  }
0xb: {  	s22 =	sshll.u32 s11, $0x7;
	s24 =	sshll.u32 s11, $0x4;
	s18 =	smax.u32 s6, $0x1  }
0xc: {  	s26 =	sshll.u32 s25, $0x7;
	s6 =	sadd.s32 s7, s20;
	[dreg:$0x5] =	wrdreg s18  }
0xd: {  	s11 =	sshll.u32 s25, $0x4;
	s23 =	sadd.s32 s22, s2;
	[dreg:$0x6] =	wrdreg s6  }
0xe: {  	s8 =	sadd.s32 s7, s24;
	s12 =	sadd.s32 s26, s2;
	[dreg:$0x7] =	wrdreg s23  }
0xf: {  	s11 =	sadd.s32 s7, s11;
	s17 =	sadd.s32 s0, s13;
	[dreg:$0x8] =	wrdreg s8  }
0x10: {  	s24 =	simm.s32 $0x1;
	s5 =	sadd.s32 s5, s1;
	[dreg:$0x9] =	wrdreg s12  }
0x11: {  	s1 =	sadd.s32 $0x70E00, s1;
	[dreg:$0xa] =	wrdreg s11;
	s12 =	sadd.s32 $0x177, s10  }
0x12: {  	s10 =	sadd.s32 $0x1F4, s10;
	s6 =	sadd.s32 s0, s22;
	s8 =	sadd.s32 s0, s26  }
0x13: {  	s9 =	sadd.s32 $0x17A00, s5;
	s5 =	sadd.s32 $0xCA00, s5;
	s15 =	sshll.u32 s12, $0x7  }
0x14: {  	s11 =	sshll.u32 s12, $0x4;
	s16 =	sshll.u32 s10, $0x4;
	s10 =	sshll.u32 s10, $0x7  }
0x15: {  	s6 =	sshrl.u32 s6, $0x3;
	s25 =	sshrl.u32 s8, $0x3;
	[dreg:$0x3] =	wrdreg s9  }
0x16: {  	s8 =	simm.s32 $0x7;
	s12 =	simm.s32 $0x0;
	[dreg:$0x4] =	wrdreg s5  }
0x17: {  	s5 =	sadd.s32 s19, s2;
	s9 =	sor.u32 $0x1C01, s21;
	s14 =	sadd.s32 s15, s2  }
0x18: {  	s11 =	sadd.s32 s7, s11;
	s7 =	sadd.s32 s7, s16;
	[dreg:$0xb] =	wrdreg s14  }
0x19: {  	s18 =	sadd.s32 s0, s15;
	s0 =	sadd.s32 s0, s10;
	[dreg:$0xc] =	wrdreg s11  }
0x1a: {  	s10 =	sadd.s32 s10, s2;
	s19 =	sadd.s32 s13, s2;
	[dreg:$0xd] =	wrdreg s7  }
0x1b: {  	s6 =	sadd.s32 s1, s6;
	s20 =	sadd.s32 s1, s25;
	[dreg:$0xe] =	wrdreg s10  }
0x1c: {  	s7 =	sshrl.u32 s17, $0x3;
	[dreg:$0x10] =	wrdreg s6;
	s26 =	sshrl.u32 s18, $0x3  }
0x1d: {  	s0 =	sshrl.u32 s0, $0x3;
	s23 =	sshrl.u32 s5, $0x3;
	s25 =	sshrl.u32 s19, $0x3  }
0x1e: {  	s5 =	simm.s32 $0x2;
	s6 =	simm.s32 $0x6;
	s10 =	simm.s32 $0x4  }
0x1f: {  	s11 =	simm.s32 $0x8;
	s7 =	sadd.s32 s1, s7;
	s21 =	sadd.s32 s1, s26  }
0x20: {  	s22 =	sadd.s32 s1, s0;
	s26 =	simm.s32 $0x9;
	s0 =	simm.s32 $0x1A900  }
0x21: {  	s1 =	simm.s32 $0x1DB00;
	[dreg:$0xf] =	wrdreg s7;
	s7 =	simm.s32 $0x3  }
.LBB2_1:
0x22: {  	s13 =	rddreg [dreg:$0x6]  }
0x23: {  	[spmem:s23], [sflag:s9] =	dma.local [hbm:s13], $0x7D0  }
0x24: {  	s13 =	rddreg [dreg:$0x7]  }
0x25: {  	s14 =	rddreg [dreg:$0x8];
	s13 =	sshrl.u32 s13, $0x3  }
0x26: {  	[spmem:s13], [sflag:s9] =	dma.local [hbm:s14], $0x7D0  }
0x27: {  	s14 =	rddreg [dreg:$0x9]  }
0x28: {  	s15 =	rddreg [dreg:$0xa];
	s14 =	sshrl.u32 s14, $0x3  }
0x29: {  	[spmem:s14], [sflag:s9] =	dma.local [hbm:s15], $0x7D0  }
0x2a: {  	s15 =	rddreg [dreg:$0xb]  }
0x2b: {  	s16 =	rddreg [dreg:$0xc];
	s15 =	sshrl.u32 s15, $0x3  }
0x2c: {  	[spmem:s15], [sflag:s9] =	dma.local [hbm:s16], $0x7D0  }
0x2d: {  	s16 =	rddreg [dreg:$0xe]  }
0x2e: {  	s17 =	rddreg [dreg:$0xd];
	s16 =	sshrl.u32 s16, $0x3  }
0x2f: {  	[spmem:s16], [sflag:s9] =	dma.local [hbm:s17], $0x7D0  }
0x30: {  	_ =	swait.ge [sflag:s24], $0x7D0  }
0x31: {  	[sflag:s24] =	ssyncset.done $0x0  }
0x32: {  	[sflag:s24] =	ssyncadd.s32 $0xFFFFF830  }
0x33: {  	_ =	swait.ge [sflag:s24], $0x7D0  }
0x34: {  	[sflag:s24] =	ssyncset.done $0x0  }
0x35: {  	[sflag:s24] =	ssyncadd.s32 $0xFFFFF830  }
0x36: {  	_ =	swait.ge [sflag:s24], $0x7D0  }
0x37: {  	[sflag:s24] =	ssyncset.done $0x0  }
0x38: {  	[sflag:s24] =	ssyncadd.s32 $0xFFFFF830  }
0x39: {  	_ =	swait.ge [sflag:s24], $0x7D0  }
0x3a: {  	[sflag:s24] =	ssyncset.done $0x0  }
0x3b: {  	[sflag:s24] =	ssyncadd.s32 $0xFFFFF830  }
0x3c: {  	_ =	swait.ge [sflag:s24], $0x7D0  }
0x3d: {  	[sflag:s24] =	ssyncset.done $0x0  }
0x3e: {  	s18 =	rddreg [dreg:$0x3];
	[sflag:s24] =	ssyncadd.s32 $0xFFFFF830  }
0x3f: {  	[tilespmem:s3], [sflag:$0x9] =	stream.linear.gather [hbm4b:s18+s3], $0x2BC0, $0x38;
	[tilespmem:$0x1F400] =	vst v63  }
0x40: {  	_ =	swait.ge [sflag:s26], $0x2BC0  }
0x41: {  	[sflag:s26] =	ssyncset.done $0x0  }
0x42: {  	s18 =	simm.s32 $0x2BC0;
	s19 =	rddreg [dreg:$0x4];
	[sflag:s26] =	ssyncadd.s32 $0xFFFFD440  }
0x43: {  	[tilespmem:s18], [sflag:$0x9] =	stream.linear.gather [hbm4b:s19+s3], $0x2BC0, $0x38;
	[tilespmem:$0x1F400] =	vst v63  }
0x44: {  	_ =	swait.ge [sflag:s26], $0x2BC0  }
0x45: {  	[sflag:s26] =	ssyncset.done $0x0  }
0x46: {  	[sflag:s26] =	ssyncadd.s32 $0xFFFFD440  }
0x47: {  	[bflag:$0x0] =	sbarrier.arrive $0xFFFF  }
0x48: {  	[tilespmem:s30], [sflag:$0x1] =	stream.indirect.gather [hbm4b:s4+s29], $0x80, s3, s29, $0xb8;
	[tilespmem:$0x1F400] =	vst v63  }
0x49: {  	s18 =	simm.s32 $0x38  }
0x4a: {  	[tilespmem:s0], [sflag:$0x2] =	stream.indirect.gather [hbm4b:s4+s29], $0x80, s18, s29, $0xb8;
	[tilespmem:$0x1F400] =	vst v63  }
0x4b: {  	s19 =	simm.s32 $0x70  }
0x4c: {  	[tilespmem:s28], [sflag:$0x3] =	stream.indirect.gather [hbm4b:s4+s29], $0x80, s19, s29, $0xb8;
	[tilespmem:$0x1F400] =	vst v63  }
0x4d: {  	s18 =	simm.s32 $0xA8  }
0x4e: {  	[tilespmem:s1], [sflag:$0x4] =	stream.indirect.gather [hbm4b:s4+s29], $0x80, s18, s29, $0xb8;
	[tilespmem:$0x1F400] =	vst v63  }
0x4f: {  	_ =	swait.ge [sflag:s24], $0x1900  }
0x50: {  	[sflag:s24] =	ssyncset.done $0x0  }
0x51: {  	s19 =	simm.s32 $0x2BC0;
	[sflag:s24] =	ssyncadd.s32 $0xFFFFE700  }
0x52: {  	[spmem:s2] =	stream.indirect.scatter.add.f32 [tilespmem:s30], [sflag:$0x5], $0x80, s19, s29, $0xb8;
	[tilespmem:$0x1F400] =	vst v63  }
0x53: {  	_ =	swait.ge [sflag:s31], $0x1900  }
0x54: {  	[sflag:s31] =	ssyncset.done $0x0  }
0x55: {  	s18 =	simm.s32 $0xE0;
	[sflag:s31] =	ssyncadd.s32 $0xFFFFE700  }
0x56: {  	[tilespmem:s30], [sflag:$0x1] =	stream.indirect.gather [hbm4b:s4+s29], $0x80, s18, s29, $0xb8;
	[tilespmem:$0x1F400] =	vst v63  }
0x57: {  	_ =	swait.ge [sflag:s5], $0x1900  }
0x58: {  	[sflag:s5] =	ssyncset.done $0x0  }
0x59: {  	s19 =	simm.s32 $0x2BF8;
	[sflag:s5] =	ssyncadd.s32 $0xFFFFE700  }
0x5a: {  	[spmem:s2] =	stream.indirect.scatter.add.f32 [tilespmem:s0], [sflag:$0x6], $0x80, s19, s29, $0xb8;
	[tilespmem:$0x1F400] =	vst v63  }
0x5b: {  	_ =	swait.ge [sflag:s6], $0x1900  }
0x5c: {  	[sflag:s6] =	ssyncset.done $0x0  }
0x5d: {  	s18 =	simm.s32 $0x118;
	[sflag:s6] =	ssyncadd.s32 $0xFFFFE700  }
0x5e: {  	[tilespmem:s0], [sflag:$0x2] =	stream.indirect.gather [hbm4b:s4+s29], $0x80, s18, s29, $0xb8;
	[tilespmem:$0x1F400] =	vst v63  }
0x5f: {  	_ =	swait.ge [sflag:s7], $0x1900  }
0x60: {  	[sflag:s7] =	ssyncset.done $0x0  }
0x61: {  	s19 =	simm.s32 $0x2C30;
	[sflag:s7] =	ssyncadd.s32 $0xFFFFE700  }
0x62: {  	[spmem:s2] =	stream.indirect.scatter.add.f32 [tilespmem:s28], [sflag:$0x7], $0x80, s19, s29, $0xb8;
	[tilespmem:$0x1F400] =	vst v63  }
0x63: {  	_ =	swait.ge [sflag:s8], $0x1900  }
0x64: {  	[sflag:s8] =	ssyncset.done $0x0  }
0x65: {  	s18 =	simm.s32 $0x150;
	[sflag:s8] =	ssyncadd.s32 $0xFFFFE700  }
0x66: {  	[tilespmem:s28], [sflag:$0x3] =	stream.indirect.gather [hbm4b:s4+s29], $0x80, s18, s29, $0xb8;
	[tilespmem:$0x1F400] =	vst v63  }
0x67: {  	_ =	swait.ge [sflag:s10], $0x1900  }
0x68: {  	[sflag:s10] =	ssyncset.done $0x0  }
0x69: {  	s19 =	simm.s32 $0x2C68;
	[sflag:s10] =	ssyncadd.s32 $0xFFFFE700  }
0x6a: {  	[spmem:s2] =	stream.indirect.scatter.add.f32 [tilespmem:s1], [sflag:$0x8], $0x80, s19, s29, $0xb8;
	[tilespmem:$0x1F400] =	vst v63  }
0x6b: {  	_ =	swait.ge [sflag:s11], $0x1900  }
0x6c: {  	[sflag:s11] =	ssyncset.done $0x0  }
0x6d: {  	s17 =	simm.s32 $0x380;
	s18 =	simm.s32 $0x188;
	[sflag:s11] =	ssyncadd.s32 $0xFFFFE700  }
.LBB2_2:
0x6e: {  	[tilespmem:s1], [sflag:$0x4] =	stream.indirect.gather [hbm4b:s4+s29], $0x80, s18, s29, $0xb8;
	[tilespmem:$0x1F400] =	vst v63  }
0x6f: {  	s18 =	smov.u32 s17  }
0x70: {  	p0 =	sne.s32 s17, $0xA800;
	s17 =	sadd.s32 $0x380, s17;
	_ =	swait.ge [sflag:s24], $0x1900  }
0x71: {  	s18 =	sshra.s32 s18, $0x2;
	[sflag:s24] =	ssyncset.done $0x0  }
0x72: {  	s19 =	sadd.s32 $0x2BC0, s18;
	[sflag:s24] =	ssyncadd.s32 $0xFFFFE700  }
0x73: {  	[spmem:s2] =	stream.indirect.scatter.add.f32 [tilespmem:s30], [sflag:$0x5], $0x80, s19, s29, $0xb8;
	[tilespmem:$0x1F400] =	vst v63  }
0x74: {  	_ =	swait.ge [sflag:s31], $0x1900  }
0x75: {  	[sflag:s31] =	ssyncset.done $0x0  }
0x76: {  	s19 =	sadd.s32 $0xE0, s18;
	[sflag:s31] =	ssyncadd.s32 $0xFFFFE700  }
0x77: {  	[tilespmem:s30], [sflag:$0x1] =	stream.indirect.gather [hbm4b:s4+s29], $0x80, s19, s29, $0xb8;
	[tilespmem:$0x1F400] =	vst v63  }
0x78: {  	_ =	swait.ge [sflag:s5], $0x1900  }
0x79: {  	[sflag:s5] =	ssyncset.done $0x0  }
0x7a: {  	s19 =	sadd.s32 $0x2BF8, s18;
	[sflag:s5] =	ssyncadd.s32 $0xFFFFE700  }
0x7b: {  	[spmem:s2] =	stream.indirect.scatter.add.f32 [tilespmem:s0], [sflag:$0x6], $0x80, s19, s29, $0xb8;
	[tilespmem:$0x1F400] =	vst v63  }
0x7c: {  	_ =	swait.ge [sflag:s6], $0x1900  }
0x7d: {  	[sflag:s6] =	ssyncset.done $0x0  }
0x7e: {  	s19 =	sadd.s32 $0x118, s18;
	[sflag:s6] =	ssyncadd.s32 $0xFFFFE700  }
0x7f: {  	[tilespmem:s0], [sflag:$0x2] =	stream.indirect.gather [hbm4b:s4+s29], $0x80, s19, s29, $0xb8;
	[tilespmem:$0x1F400] =	vst v63  }
0x80: {  	_ =	swait.ge [sflag:s7], $0x1900  }
0x81: {  	[sflag:s7] =	ssyncset.done $0x0  }
0x82: {  	s19 =	sadd.s32 $0x2C30, s18;
	[sflag:s7] =	ssyncadd.s32 $0xFFFFE700  }
0x83: {  	[spmem:s2] =	stream.indirect.scatter.add.f32 [tilespmem:s28], [sflag:$0x7], $0x80, s19, s29, $0xb8;
	[tilespmem:$0x1F400] =	vst v63  }
0x84: {  	_ =	swait.ge [sflag:s8], $0x1900  }
0x85: {  	[sflag:s8] =	ssyncset.done $0x0  }
0x86: {  	s19 =	sadd.s32 $0x150, s18;
	[sflag:s8] =	ssyncadd.s32 $0xFFFFE700  }
0x87: {  	[tilespmem:s28], [sflag:$0x3] =	stream.indirect.gather [hbm4b:s4+s29], $0x80, s19, s29, $0xb8;
	[tilespmem:$0x1F400] =	vst v63  }
0x88: {  	_ =	swait.ge [sflag:s10], $0x1900  }
0x89: {  	[sflag:s10] =	ssyncset.done $0x0  }
.Ltmp0:
0x8a: {  	s19 =	sadd.s32 $0x2C68, s18;
	[sflag:s10] =	ssyncadd.s32 $0xFFFFE700;
	(pc) =	sbr.rel @p0 .LBB2_2-.Ltmp0, $4  }
0x8b: {  	[spmem:s2] =	stream.indirect.scatter.add.f32 [tilespmem:s1], [sflag:$0x8], $0x80, s19, s29, $0xb8;
	[tilespmem:$0x1F400] =	vst v63  }
0x8c: {  	_ =	swait.ge [sflag:s11], $0x1900  }
0x8d: {  	[sflag:s11] =	ssyncset.done $0x0  }
0x8e: {  	s18 =	sadd.s32 $0x188, s18;
	[sflag:s11] =	ssyncadd.s32 $0xFFFFE700  }
0x8f: {  	[tilespmem:s1], [sflag:$0x4] =	stream.indirect.gather [hbm4b:s4+s29], $0x80, s18, s29, $0xb8;
	[tilespmem:$0x1F400] =	vst v63  }
0x90: {  	_ =	swait.ge [sflag:s24], $0x1900  }
0x91: {  	[sflag:s24] =	ssyncset.done $0x0  }
0x92: {  	s17 =	simm.s32 $0x56A0;
	[sflag:s24] =	ssyncadd.s32 $0xFFFFE700  }
0x93: {  	[spmem:s2] =	stream.indirect.scatter.add.f32 [tilespmem:s30], [sflag:$0x5], $0x80, s17, s29, $0xb8;
	[tilespmem:$0x1F400] =	vst v63  }
0x94: {  	_ =	swait.ge [sflag:s31], $0x1900  }
0x95: {  	[sflag:s31] =	ssyncset.done $0x0  }
0x96: {  	[sflag:s31] =	ssyncadd.s32 $0xFFFFE700  }
0x97: {  	_ =	swait.ge [sflag:s5], $0x1900  }
0x98: {  	[sflag:s5] =	ssyncset.done $0x0  }
0x99: {  	s19 =	simm.s32 $0x56D8;
	[sflag:s5] =	ssyncadd.s32 $0xFFFFE700  }
0x9a: {  	[spmem:s2] =	stream.indirect.scatter.add.f32 [tilespmem:s0], [sflag:$0x6], $0x80, s19, s29, $0xb8;
	[tilespmem:$0x1F400] =	vst v63  }
0x9b: {  	_ =	swait.ge [sflag:s6], $0x1900  }
0x9c: {  	[sflag:s6] =	ssyncset.done $0x0  }
0x9d: {  	[sflag:s6] =	ssyncadd.s32 $0xFFFFE700  }
0x9e: {  	_ =	swait.ge [sflag:s7], $0x1900  }
0x9f: {  	[sflag:s7] =	ssyncset.done $0x0  }
0xa0: {  	s18 =	simm.s32 $0x5710;
	[sflag:s7] =	ssyncadd.s32 $0xFFFFE700  }
0xa1: {  	[spmem:s2] =	stream.indirect.scatter.add.f32 [tilespmem:s28], [sflag:$0x7], $0x80, s18, s29, $0xb8;
	[tilespmem:$0x1F400] =	vst v63  }
0xa2: {  	_ =	swait.ge [sflag:s8], $0x1900  }
0xa3: {  	[sflag:s8] =	ssyncset.done $0x0  }
0xa4: {  	[sflag:s8] =	ssyncadd.s32 $0xFFFFE700  }
0xa5: {  	_ =	swait.ge [sflag:s10], $0x1900  }
0xa6: {  	[sflag:s10] =	ssyncset.done $0x0  }
0xa7: {  	s19 =	simm.s32 $0x5748;
	[sflag:s10] =	ssyncadd.s32 $0xFFFFE700  }
0xa8: {  	[spmem:s2] =	stream.indirect.scatter.add.f32 [tilespmem:s1], [sflag:$0x8], $0x80, s19, s29, $0xb8;
	[tilespmem:$0x1F400] =	vst v63  }
0xa9: {  	_ =	swait.ge [sflag:s11], $0x1900  }
0xaa: {  	[sflag:s11] =	ssyncset.done $0x0  }
0xab: {  	[sflag:s11] =	ssyncadd.s32 $0xFFFFE700  }
0xac: {  	[bflag:$0x0] =	sbarrier.arrive $0xFFFF  }
0xad: {  	s18 =	rddreg [dreg:$0xf]  }
0xae: {  	[hbm:s18], [sflag:s9] =	dma.local [spmem:s25], $0x7D0  }
0xaf: {  	s17 =	rddreg [dreg:$0x10]  }
0xb0: {  	[hbm:s17], [sflag:s9] =	dma.local [spmem:s13], $0x7D0  }
0xb1: {  	[hbm:s20], [sflag:s9] =	dma.local [spmem:s14], $0x7D0  }
0xb2: {  	[hbm:s21], [sflag:s9] =	dma.local [spmem:s15], $0x7D0  }
0xb3: {  	[hbm:s22], [sflag:s9] =	dma.local [spmem:s16], $0x7D0  }
0xb4: {  	_ =	swait.ge [sflag:s24], $0x7D0  }
0xb5: {  	[sflag:s24] =	ssyncset.done $0x0  }
0xb6: {  	[sflag:s24] =	ssyncadd.s32 $0xFFFFF830  }
0xb7: {  	_ =	swait.ge [sflag:s24], $0x7D0  }
0xb8: {  	[sflag:s24] =	ssyncset.done $0x0  }
0xb9: {  	[sflag:s24] =	ssyncadd.s32 $0xFFFFF830  }
0xba: {  	_ =	swait.ge [sflag:s24], $0x7D0  }
0xbb: {  	[sflag:s24] =	ssyncset.done $0x0  }
0xbc: {  	[sflag:s24] =	ssyncadd.s32 $0xFFFFF830  }
0xbd: {  	_ =	swait.ge [sflag:s24], $0x7D0  }
0xbe: {  	[sflag:s24] =	ssyncset.done $0x0  }
0xbf: {  	[sflag:s24] =	ssyncadd.s32 $0xFFFFF830  }
0xc0: {  	_ =	swait.ge [sflag:s24], $0x7D0  }
0xc1: {  	s12 =	sadd.s32 $0x1, s12;
	s19 =	rddreg [dreg:$0x5]  }
0xc2: {  	p0 =	sne.s32 s12, s19  }
.Ltmp1:
0xc3: {  	_ = 	snop;
	(pc) =	sbr.rel @p0 .LBB2_1-.Ltmp1, $3  }
0xc4: {  	_ =	sdelay $0x1  }
0xc5: {  	[sflag:s24] =	ssyncset.done $0x0  }
0xc6: {  	[sflag:s24] =	ssyncadd.s32 $0xFFFFF830  }
0xc7: {  	_ =	sfence.sel $0x180000  }
0xc8: {  	[bflag:$0x0] =	sbarrier.arrive $0xFFFF  }
0xc9: {  	_ =	strace $0x9000004D  }
0xca: {  	s0 =	stileid.u32;
	[bflag:$0x2] =	sbarrier.arrive $0xFFFF  }
0xcb: {  	p0 =	sne.s32 s0, $0x0;
	s0 =	rddreg [dreg:$0x2]  }
0xcc: {  	s0 =	sadd.s32 @!p0 $0x100000, s0  }
0xcd: {  	[sflag:s0] =	ssyncadd.tile.s32 @!p0 $0x1;
	_ =	shalt  }
.Lfunc_end2:
_tile_overlayer_lowered:
.L_overlay_start_2:
0xce: {  	(tag) =	ssettag $0x2  }
0xcf: {  	s0 =	rddreg [dreg:$0x0];
	s2 =	stileid.u32  }
0xd0: {  	s1 =	rddreg [dreg:$0x1];
	p0 =	sne.s32 s2, $0x0  }
0xd1: {  	s3 =	rddreg [dreg:$0x2];
	[bflag:$0x3] =	sbarrier.arrive $0xFFFF;
	s2 =	simm.s32 @!p0 $0x1C09  }
0xd2: {  	[timem:s3], [sflag:s2] =	dma.local @!p0 [hbm:s0], s1  }
0xd3: {  	s0 =	simm.s32 @!p0 $0x9  }
0xd4: {  	_ =	swait.ge @!p0 [sflag:s0], s1  }
0xd5: {  	s1 =	ssub.s32 @!p0 $0x0, s1;
	[sflag:s0] =	ssyncset.done @!p0 $0x0  }
0xd6: {  	[sflag:s0] =	ssyncadd.s32 @!p0 s1  }
0xd7: {  	[bflag:$0x3] =	sbarrier.arrive $0xFFFF  }
0xd8: {  	_ =	shalt  }

// kernel: kernel.8.cloned.1.call-start
scs
__scs_entry_jumppad:
0x0: {  	(pc) =	sbr.rel $0x88, $3  }
0x1: {  	(tag) =	ssettag $0x0;
	lr =	simm.s32 $0x1  }
0x2: {  	[smem:$0x3F98] =	sst lr;
	_ =	strace $0xD0000000  }
0x3: {  	_ = 	snop  }
0x4: {  	_ = 	snop  }
0x5: {  	_ = 	snop  }
0x6: {  	_ = 	snop  }
0x7: {  	_ = 	snop  }
__scs_overlays_trampoline_lowered:
0x8: {  	[smem:$0x3FA7] =	sst s0  }
0x9: {  	[smem:$0x3FA8] =	sst s1  }
0xa: {  	[smem:$0x3FA9] =	sst s2  }
0xb: {  	[smem:$0x3FAA] =	sst s3  }
0xc: {  	[smem:$0x3FAB] =	sst s4  }
0xd: {  	[smem:$0x3FAC] =	sst s5  }
0xe: {  	[smem:$0x3FAD] =	sst s6  }
0xf: {  	[smem:$0x3FAE] =	sst s7  }
0x10: {  	[smem:$0x3FAF] =	sst s8  }
0x11: {  	[smem:$0x3FB0] =	sst s9;
	s0 =	simm.s32 @!p0 $0x0  }
0x12: {  	s1 =	sld [smem:$0x3F96];
	s0 =	simm.s32 @p0 $0x1  }
0x13: {  	[smem:$0x3FB1] =	sst s0;
	s0 =	simm.s32 @!p1 $0x0  }
0x14: {  	s2 =	sld [smem:$0x3F95];
	s0 =	simm.s32 @p1 $0x1  }
0x15: {  	[smem:$0x3FB2] =	sst s0;
	s0 =	simm.s32 @!p2 $0x0  }
0x16: {  	s3 =	sld [smem:$0x3FDB];
	s0 =	simm.s32 @p2 $0x1  }
0x17: {  	s4 =	simm.s32 $0x1BF5;
	[smem:$0x3FB4] =	sst s0  }
0x18: {  	s0 =	sld [smem:$0x3F97];
	_ =	swait.ge [sflag:s4], $0x0  }
0x19: {  	s7 =	sld [smem:$0x3F98]  }
0x1a: {  	s8 =	sadd.s32 $0xFFFFE003, lr  }
0x1b: {  	s9 =	sadd.s32 $0xFFFFFEF7, lr;
	s5 =	simm.s32 $0xFFFFFFFF;
	p2 =	slt.u32 s8, $0xFFFFF086  }
0x1c: {  	p1 =	slt.u32 s9, $0xF7A;
	s5 =	simm.s32 @!p2 $0x0  }
0x1d: {  	s5 =	simm.s32 @p1 $0x1;
	p0 =	seq.s32 s7, s2  }
0x1e: {  	s7 =	smul.u32 @!p0 $0xF7A, s2;
	p2 =	seq.s32 @!p0 s5, $0x0  }
0x1f: {  	s9 =	smul.u32 $0xF7A, s1;
	s8 =	simm.s32 @!p0 $0x1BF5;
	p2 =	por !p2, p0  }
0x20: {  	[sflag:s8] =	ssyncset.s32 @!p0 $0xFFFFF086;
	s6 =	sadd.s32 @!p0 s3, s7;
	s7 =	simm.s32 @!p0 $0x108  }
0x21: {  	s3 =	sadd.s32 s3, s9;
	s6 =	sadd.s32 @!p0 $0x88, s6;
	s7 =	simm.s32 @p2 $0x1082  }
0x22: {  	[simem:s7], [sflag:s8] =	dma.local @!p0 [hbm:s6], $0xF7A  }
0x23: {  	s9 =	sor.u32 $0xD0000000, s2;
	s6 =	simm.s32 $0x108;
	_ =	swait.ge @!p0 [sflag:s8], $0x0  }
0x24: {  	s3 =	sadd.s32 $0x88, s3;
	s6 =	simm.s32 @!p1 $0x1082;
	[sflag:s4] =	ssyncset.s32 $0xFFFFF086  }
0x25: {  	[simem:s6], [sflag:s4] =	dma.local [hbm:s3], $0xF7A  }
0x26: {  	[smem:$0x3F98] =	sst s1;
	(tag) =	ssettag s2;
	_ =	strace s9  }
0x27: {  	s1 =	sld [smem:$0x3FA8]  }
0x28: {  	s2 =	sld [smem:$0x3FA9]  }
0x29: {  	s4 =	sld [smem:$0x3FAB]  }
0x2a: {  	p0 =	seq.s32 s5, $0x0;
	s5 =	sld [smem:$0x3FAC]  }
0x2b: {  	s6 =	sld [smem:$0x3FAD]  }
0x2c: {  	s7 =	sld [smem:$0x3FAE]  }
0x2d: {  	s3 =	simm.s32 $0x108;
	s8 =	sld [smem:$0x3FAF]  }
0x2e: {  	s3 =	simm.s32 @!p0 $0x1082;
	s9 =	sld [smem:$0x3FB0]  }
0x2f: {  	lr =	sadd.s32 s0, s3;
	s0 =	sld [smem:$0x3FA7]  }
0x30: {  	s3 =	sld [smem:$0x3FAA]  }
0x31: {  	[smem:$0x3FB3] =	sst s10  }
0x32: {  	s10 =	sld [smem:$0x3FB1];
	_ =	sdelay $0x3  }
0x33: {  	p0 =	seq.s32 s10, $0x1;
	s10 =	sld [smem:$0x3FB3];
	_ =	sdelay $0x3  }
0x34: {  	[smem:$0x3FB3] =	sst s10  }
0x35: {  	s10 =	sld [smem:$0x3FB2];
	_ =	sdelay $0x3  }
0x36: {  	p1 =	seq.s32 s10, $0x1;
	s10 =	sld [smem:$0x3FB3];
	_ =	sdelay $0x3  }
0x37: {  	[smem:$0x3FB3] =	sst s10  }
0x38: {  	s10 =	sld [smem:$0x3FB4]  }
0x39: {  	_ = 	snop;
	(pc) =	sbr.ind lr, $3  }
0x3a: {  	_ = 	snop  }
0x3b: {  	_ = 	snop  }
0x3c: {  	p2 =	seq.s32 s10, $0x1;
	s10 =	sld [smem:$0x3FB3]  }
0x3d: {  	_ =	shalt  }
0x3e: {  	_ =	shalt  }
0x3f: {  	_ =	shalt  }
0x40: {  	_ =	shalt  }
0x41: {  	_ =	shalt  }
0x42: {  	_ =	shalt  }
0x43: {  	_ =	shalt  }
0x44: {  	_ =	shalt  }
0x45: {  	_ =	shalt  }
0x46: {  	_ =	shalt  }
0x47: {  	_ =	shalt  }
0x48: {  	_ =	shalt  }
0x49: {  	_ =	shalt  }
0x4a: {  	_ =	shalt  }
0x4b: {  	_ =	shalt  }
0x4c: {  	_ =	shalt  }
0x4d: {  	_ =	shalt  }
0x4e: {  	_ =	shalt  }
0x4f: {  	_ =	shalt  }
0x50: {  	_ =	shalt  }
0x51: {  	_ =	shalt  }
0x52: {  	_ =	shalt  }
0x53: {  	_ =	shalt  }
0x54: {  	_ =	shalt  }
0x55: {  	_ =	shalt  }
0x56: {  	_ =	shalt  }
0x57: {  	_ =	shalt  }
0x58: {  	_ =	shalt  }
0x59: {  	_ =	shalt  }
0x5a: {  	_ =	shalt  }
0x5b: {  	_ =	shalt  }
0x5c: {  	_ =	shalt  }
0x5d: {  	_ =	shalt  }
0x5e: {  	_ =	shalt  }
0x5f: {  	_ =	shalt  }
0x60: {  	_ =	shalt  }
0x61: {  	_ =	shalt  }
0x62: {  	_ =	shalt  }
0x63: {  	_ =	shalt  }
0x64: {  	_ =	shalt  }
0x65: {  	_ =	shalt  }
0x66: {  	_ =	shalt  }
0x67: {  	_ =	shalt  }
0x68: {  	_ =	shalt  }
0x69: {  	_ =	shalt  }
0x6a: {  	_ =	shalt  }
0x6b: {  	_ =	shalt  }
0x6c: {  	_ =	shalt  }
0x6d: {  	_ =	shalt  }
0x6e: {  	_ =	shalt  }
0x6f: {  	_ =	shalt  }
0x70: {  	_ =	shalt  }
0x71: {  	_ =	shalt  }
0x72: {  	_ =	shalt  }
0x73: {  	_ =	shalt  }
0x74: {  	_ =	shalt  }
0x75: {  	_ =	shalt  }
0x76: {  	_ =	shalt  }
0x77: {  	_ =	shalt  }
0x78: {  	_ =	shalt  }
0x79: {  	_ =	shalt  }
0x7a: {  	_ =	shalt  }
0x7b: {  	_ =	shalt  }
0x7c: {  	_ =	shalt  }
0x7d: {  	_ =	shalt  }
0x7e: {  	_ =	shalt  }
0x7f: {  	_ =	shalt  }
0x80: {  	_ =	shalt  }
0x81: {  	_ =	shalt  }
0x82: {  	_ =	shalt  }
0x83: {  	_ =	shalt  }
0x84: {  	_ =	shalt  }
0x85: {  	_ =	shalt  }
0x86: {  	_ =	shalt  }
0x87: {  	_ =	shalt  }
.Lfunc_end0:
.L_simem_size_0:
called_computation_lowered:
.L_overlay_start_0:
0x88: {  	s2 =	sld [smem:$0x3FD9]  }
0x89: {  	s3 =	sld [smem:$0x3FFE];
	_ =	sdelay $0x1  }
0x8a: {  	s1 =	srdreg.scid  }
0x8b: {  	s0 =	sand.u32 $0x1, s1  }
0x8c: {  	s16 =	sshll.u32 s0, $0xA;
	s2 =	sadd.s32 s3, s2  }
0x8d: {  	s2 =	sadd.s32 s2, s16  }
0x8e: {  	[smem:$0x3FBF] =	sst s2  }
0x8f: {  	_ = 	snop  }
0x90: {  	(tm) =	ssettm $0x1  }
0x91: {  	s17 =	sld [smem:$0x3FFB];
	_ =	sdelay $0x3  }
0x92: {  	_ =	strace s17  }
0x93: {  	s2 =	sld [smem:$0x3FFC];
	_ =	sdelay $0x3  }
0x94: {  	_ =	strace s2  }
0x95: {  	s2 =	sld [smem:$0x3FFD];
	_ =	sdelay $0x3  }
0x96: {  	_ =	strace s2  }
0x97: {  	_ =	strace $0x8FFFFFFF  }
0x98: {  	s18 =	sld [smem:$0x3FDB];
	_ =	sdelay $0x1  }
0x99: {  	s19 =	simm.s32 $_scs_section_size  }
0x9a: {  	s4 =	simm.s32 $_size__tile_overlayer_lowered;
	s5 =	simm.s32 $_tile_overlayer_lowered  }
0x9b: {  	s22 =	simm.s32 $0x1BFF;
	s21 =	sshll.u32 s5, $0x1;
	s2 =	sadd.s32 s19, s18  }
0x9c: {  	s6 =	simm.s32 $0x0;
	s20 =	sshll.u32 s4, $0x1;
	s4 =	sadd.s32 s21, s2  }
0x9d: {  	[timem:s6], [sflag:s22] =	dma.local [hbm:s4], s20  }
0x9e: {  	_ =	swait.ge [sflag:s22], s20  }
0x9f: {  	s3 =	ssub.s32 $0x0, s20;
	[sflag:s22] =	ssyncset.done $0x0  }
0xa0: {  	[sflag:s22] =	ssyncadd.s32 s3;
	_ =	sdelay $0x1  }
0xa1: {  	s23 =	simm.s32 $0x1B8B  }
0xa2: {  	_ =	swait.ge [sflag:s23], $0x1  }
0xa3: {  	[sflag:s23] =	ssyncset.done $0x0  }
0xa4: {  	s25 =	simm.s32 $0x1B8E;
	s24 =	sld [smem:$0x3FFE];
	[sflag:s23] =	ssyncadd.s32 $0xFFFFFFFF  }
0xa5: {  	s26 =	simm.s32 $execute0_lowered;
	[smem:$0x3FD2] =	sst s25  }
0xa6: {  	s4 =	sshll.u32 s26, $0x1;
	_ =	strace $0x80000046;
	[dreg:$0x1] =	wrdreg $0xFFFFFFFF  }
0xa7: {  	s28 =	simm.s32 $_size_execute0_lowered;
	s2 =	sadd.s32 s2, s4;
	[dreg:$0x0] =	wrdreg $0x0  }
0xa8: {  	s4 =	sshll.u32 s28, $0x1;
	[dreg:$0x2] =	wrdreg s2  }
0xa9: {  	[dreg:$0x3] =	wrdreg s4  }
0xaa: {  	[dreg:$0x4] =	wrdreg $0xC0  }
0xab: {  	_ =	task [dreg:s6], $0x5FFFF  }
0xac: {  	[dreg:$0x1] =	wrdreg $0xFFFFFFFF  }
0xad: {  	[dreg:$0x0] =	wrdreg $0x60  }
0xae: {  	[dreg:$0x2] =	wrdreg s24  }
0xaf: {  	[dreg:$0x3] =	wrdreg $0x28800  }
0xb0: {  	[dreg:$0x4] =	wrdreg $0x9  }
0xb1: {  	_ =	task.clear_ibuf [dreg:s6], $0x5FFFF;
	_ =	strace $0x90000046  }
0xb2: {  	s29 =	simm.s32 $0x9;
	_ =	strace $0x80000048  }
0xb3: {  	_ =	swait.ge [sflag:s29], $0x1  }
0xb4: {  	[sflag:s29] =	ssyncadd.s32 $0xFFFFFFFF  }
0xb5: {  	_ =	strace $0x90000048  }
0xb6: {  	_ =	sfence  }
0xb7: {  	s30 =	sld [smem:$0x0];
	_ =	sdelay $0x2  }
0xb8: {  	s31 =	sshll.u32 s1, $0xD;
	s1 =	sshrl.u32 s1, $0x2  }
0xb9: {  	s3 =	sand.u32 $0x4000, s31;
	s1 =	sadd.s32 s1, s30  }
0xba: {  	s0 =	sor.u32 s3, s0;
	s1 =	sshll.u32 s1, $0x11  }
0xbb: {  	s0 =	sor.u32 s1, s0  }
0xbc: {  	s0 =	sadd.s32 $0x8F2B, s0  }
0xbd: {  	[sflag:s0] =	ssyncadd.remote.s32 $0x1  }
0xbe: {  	_ =	sfence.sel $0xFFFF  }
0xbf: {  	[dreg:$0x0] =	wrdreg $0xFFFFFFFF;
	(pc) =	sbr.abs _section_cstart, $3  }
0xc0: {  	[dreg:$0x1] =	wrdreg $0xFFFFFFFF  }
0xc1: {  	_ =	task.clear_ibuf [dreg:s6], $0x2FFFF;
	_ =	strace $0x9FFFFFFF  }
0xc2: {  	(tm) =	ssettm $0x7FFFFFFF  }
0xc3: {  	_ =	shalt  }
tec
execute0_lowered:
.L_overlay_start_1:
0x0: {  	(tag) =	ssettag $0x1  }
0x1: {  	s5 =	rddreg [dreg:$0x0]  }
0x2: {  	s0 =	srdreg.scid;
	s2 =	rddreg [dreg:$0x1]  }
0x3: {  	s3 =	simm.s32 $0x0;
	s12 =	simm.s32 $0x2800;
	s13 =	simm.s32 $0x1  }
0x4: {  	s14 =	simm.s32 $0x0;
	s4 =	sand.u32 $0x1, s0;
	s0 =	stileid.u32  }
0x5: {  	[smem:$0x7FF] =	sst s3;
	s1 =	sshll.u32 s4, $0x4;
	s7 =	smul.u32 $0x270, s0  }
0x6: {  	s8 =	smul.u32 $0x2710, s4;
	s4 =	ssub.s32 $0x2, s4;
	s1 =	sor.u32 s0, s1  }
0x7: {  	s31 =	sshll.u32 s0, $0x6;
	s10 =	sshrl.u32 s4, $0x1;
	s6 =	smul.u32 $0x500, s1  }
0x8: {  	s1 =	rddreg [dreg:$0x2];
	_ =	strace $0x80000047;
	s9 =	sshrl.u32 s7, $0x3  }
0x9: {  	s8 =	sadd.s32 s7, s8;
	s10 =	ssub.s32 s4, s10;
	s11 =	sadd.s32 s7, s2  }
0xa: {  	s9 =	sadd.s32 s9, s5;
	s8 =	sshrl.u32 s8, $0x3;
	s6 =	sadd.s32 s6, s5  }
0xb: {  	s8 =	sadd.s32 s8, s5;
	s4 =	sadd.s32 $0xBA00, s9;
	s5 =	sor.u32 $0x1C02, s31  }
0xc: {  	s9 =	sshrl.u32 s11, $0x3;
	s11 =	simm.s32 $0x7D;
	s6 =	sadd.s32 $0x1A00, s6  }
0xd: {  	v0 =	vimm.f32 $1.000000000e+00;
	s7 =	sadd.s32 $0xC000, s8;
	s8 =	smax.u32 s10, $0x1;
	s10 =	simm.s32 $0x2  }
.LBB2_1:
0xe: {  	[tilespmem:$0x2800] =	vst v0  }
0xf: {  	[tilespmem:$0x2810] =	vst v0  }
0x10: {  	[tilespmem:$0x2820] =	vst v0  }
0x11: {  	[tilespmem:$0x2830] =	vst v0  }
0x12: {  	[tilespmem:$0x2840] =	vst v0  }
0x13: {  	[tilespmem:$0x2850] =	vst v0  }
0x14: {  	[tilespmem:$0x2860] =	vst v0  }
0x15: {  	[tilespmem:$0x2870] =	vst v0  }
0x16: {  	[spmem:s9], [sflag:s5] =	dma.local [hbm:s4], $0x50  }
0x17: {  	_ =	swait.ge [sflag:s10], $0x50  }
0x18: {  	[sflag:s10] =	ssyncset.done $0x0  }
0x19: {  	[sflag:s10] =	ssyncadd.s32 $0xFFFFFFB0  }
0x1a: {  	[tilespmem:s3], [sflag:$0x2] =	stream.linear.gather [hbm4b:s6+s3], $0x2800, $0x38;
	[tilespmem:$0x2AF8] =	vst v63  }
0x1b: {  	_ =	swait.ge [sflag:s10], $0x2800  }
0x1c: {  	[sflag:s10] =	ssyncset.done $0x0  }
0x1d: {  	[sflag:s10] =	ssyncadd.s32 $0xFFFFD800  }
0x1e: {  	s15 =	simm.s32 $0x0;
	[bflag:$0x0] =	sbarrier.arrive $0xFFFF  }
.LBB2_2:
0x1f: {  	p0 =	sne.s32 s15, $0x9E00  }
.Ltmp0:
0x20: {  	_ = 	snop;
	(pc) =	sbr.rel @p0 .LBB2_2-.Ltmp0, $3  }
0x21: {  	_ =	sdelay $0x1  }
0x22: {  	s16 =	sshra.s32 s15, $0x2;
	s15 =	sadd.s32 $0x200, s15  }
0x23: {  	[spmem:s2] =	stream.indirect.scatter.add.f32 [tilespmem:s12], [sflag:$0x1], $0x1, s16, s11, $0xb8;
	[tilespmem:$0x2AF8] =	vst v63  }
0x24: {  	_ =	swait.ge [sflag:s13], $0x7D  }
0x25: {  	s15 =	simm.s32 $0x4F;
	[sflag:s13] =	ssyncset.done $0x0  }
.LBB2_4:
0x26: {  	p0 =	sne.s32 s15, $0x1;
	s15 =	sadd.s32 $0xFFFFFFFF, s15;
	[sflag:s13] =	ssyncadd.s32 $0xFFFFFF83  }
.Ltmp1:
0x27: {  	(pc) =	sbr.rel @p0 .LBB2_4-.Ltmp1, $3  }
0x28: {  	_ =	sdelay $0x1  }
0x29: {  	_ =	swait.ge [sflag:s13], $0x7D  }
0x2a: {  	[sflag:s13] =	ssyncset.done $0x0  }
0x2b: {  	s14 =	sadd.s32 $0x1, s14  }
0x2c: {  	[sflag:s13] =	ssyncadd.s32 $0xFFFFFF83;
	p0 =	sne.s32 s14, s8  }
.Ltmp2:
0x2d: {  	[bflag:$0x0] =	sbarrier.arrive $0xFFFF;
	(pc) =	sbr.rel @p0 .LBB2_1-.Ltmp2, $4  }
0x2e: {  	[hbm:s7], [sflag:s5] =	dma.local [spmem:s9], $0x50  }
0x2f: {  	_ =	swait.ge [sflag:s10], $0x50  }
0x30: {  	[sflag:s10] =	ssyncset.done $0x0  }
0x31: {  	[sflag:s10] =	ssyncadd.s32 $0xFFFFFFB0  }
0x32: {  	_ =	sfence.sel $0x180000  }
0x33: {  	[bflag:$0x0] =	sbarrier.arrive $0xFFFF  }
0x34: {  	p0 =	sne.s32 s0, $0x0;
	_ =	strace $0x90000047  }
0x35: {  	s0 =	sadd.s32 @!p0 $0x100000, s1;
	[bflag:$0x2] =	sbarrier.arrive $0xFFFF  }
0x36: {  	[sflag:s0] =	ssyncadd.tile.s32 @!p0 $0x1;
	_ =	shalt  }
.Lfunc_end2:
_tile_overlayer_lowered:
.L_overlay_start_2:
0x37: {  	(tag) =	ssettag $0x2  }
0x38: {  	s0 =	rddreg [dreg:$0x0];
	s2 =	stileid.u32  }
0x39: {  	s1 =	rddreg [dreg:$0x1];
	p0 =	sne.s32 s2, $0x0  }
0x3a: {  	s3 =	rddreg [dreg:$0x2];
	[bflag:$0x3] =	sbarrier.arrive $0xFFFF;
	s2 =	simm.s32 @!p0 $0x1C02  }
0x3b: {  	[timem:s3], [sflag:s2] =	dma.local @!p0 [hbm:s0], s1  }
0x3c: {  	s0 =	simm.s32 @!p0 $0x2  }
0x3d: {  	_ =	swait.ge @!p0 [sflag:s0], s1  }
0x3e: {  	s1 =	ssub.s32 @!p0 $0x0, s1;
	[sflag:s0] =	ssyncset.done @!p0 $0x0  }
0x3f: {  	[sflag:s0] =	ssyncadd.s32 @!p0 s1  }
0x40: {  	[bflag:$0x3] =	sbarrier.arrive $0xFFFF  }
0x41: {  	_ =	shalt  }

</sc_bundles>
